<compile_context>
chip_gen: v7x
topology: tpu7x:2x2x1
jax: 0.10.2.dev20260603
libtpu: 0.0.44.dev20260713+nightly
codegen_flags: <defaults>
</compile_context>

<pallas_src>
import functools

import jax
import jax.numpy as jnp
from jax import lax
from jax.experimental import pallas as pl
from jax.experimental.pallas import tpu as pltpu
from jax.experimental.pallas import tpu_sc as plsc

N_EXPERTS = 8
TOP_K = 2
ALPHA = 0.001
TOKEN_BLOCK = 1024
NUM_CORES = 2
NUM_SUBCORES = 16
NUM_WORKERS = NUM_CORES * NUM_SUBCORES
LANES = 16


def _gate_block(x_ref, w_ref, p_ref, aux_ref, acc_ref):
    i = pl.program_id(0)
    nb = pl.num_programs(0)

    x = x_ref[...]
    w = w_ref[...]
    logits = lax.dot_general(
        w, x, (((1,), (1,)), ((), ())), preferred_element_type=jnp.float32
    )

    m = jnp.max(logits, axis=0, keepdims=True)
    e = jnp.exp(logits - m)
    p = e / jnp.sum(e, axis=0, keepdims=True)
    p_ref[0, :, :] = p

    iota = lax.broadcasted_iota(jnp.int32, p.shape, 0)
    m1 = jnp.max(p, axis=0, keepdims=True)
    idx1 = jnp.min(jnp.where(p == m1, iota, N_EXPERTS), axis=0, keepdims=True)
    is1 = iota == idx1
    p2 = jnp.where(is1, -1.0, p)
    m2 = jnp.max(p2, axis=0, keepdims=True)
    idx2 = jnp.min(jnp.where(p2 == m2, iota, N_EXPERTS), axis=0, keepdims=True)
    is2 = iota == idx2

    part = jnp.concatenate(
        [p, jnp.where(is1 | is2, 1.0, 0.0)], axis=0
    )

    @pl.when(i == 0)
    def _init():
        acc_ref[...] = part

    @pl.when(i > 0)
    def _acc():
        acc_ref[...] += part

    @pl.when(i == nb - 1)
    def _fin():
        acc = jnp.sum(acc_ref[...], axis=1)
        total = nb * x.shape[0]
        pi = acc[:N_EXPERTS] / total
        fi = acc[N_EXPERTS:] * (N_EXPERTS / (total * TOP_K))
        aux = jnp.sum(pi * fi) * ALPHA
        aux_ref[...] = jnp.full((8, 128), aux, jnp.float32)


def _scores_kernel(hs, w):
    t, h = hs.shape
    tb = TOKEN_BLOCK
    nb = t // tb
    return pl.pallas_call(
        _gate_block,
        grid=(nb,),
        in_specs=[
            pl.BlockSpec((tb, h), lambda i: (i, 0)),
            pl.BlockSpec((N_EXPERTS, h), lambda i: (0, 0)),
        ],
        out_specs=[
            pl.BlockSpec((1, N_EXPERTS, tb), lambda i: (i, 0, 0)),
            pl.BlockSpec((8, 128), lambda i: (0, 0)),
        ],
        out_shape=[
            jax.ShapeDtypeStruct((nb, N_EXPERTS, tb), jnp.float32),
            jax.ShapeDtypeStruct((8, 128), jnp.float32),
        ],
        scratch_shapes=[pltpu.VMEM((2 * N_EXPERTS, tb), jnp.float32)],
        compiler_params=pltpu.CompilerParams(
            dimension_semantics=("arbitrary",),
        ),
    )(hs, w)


def _route_body(p_hbm, idx_hbm, wgt_hbm, p_v, idx_v, wgt_v):
    wid = lax.axis_index("s") * NUM_CORES + lax.axis_index("c")
    pltpu.sync_copy(p_hbm.at[wid], p_v)

    @plsc.parallel_loop(0, TOKEN_BLOCK // LANES, unroll=8)
    def chunk(j):
        sl = pl.ds(j * LANES, LANES)
        pe = [p_v[e, sl] for e in range(N_EXPERTS)]

        best = pe[0]
        bi = jnp.zeros((LANES,), jnp.int32)
        for e in range(1, N_EXPERTS):
            upd = pe[e] > best
            best = jnp.where(upd, pe[e], best)
            bi = jnp.where(upd, e, bi)

        b2 = jnp.full((LANES,), -1.0, jnp.float32)
        bi2 = jnp.zeros((LANES,), jnp.int32)
        for e in range(N_EXPERTS):
            upd = (pe[e] > b2) & (bi != e)
            b2 = jnp.where(upd, pe[e], b2)
            bi2 = jnp.where(upd, e, bi2)

        inv = 1.0 / (best + b2 + 1e-20)
        sl = pl.ds(j * LANES, LANES)
        idx_v[0, sl] = bi
        idx_v[1, sl] = bi2
        wgt_v[0, sl] = best * inv
        wgt_v[1, sl] = b2 * inv

    pltpu.sync_copy(idx_v, idx_hbm.at[wid])
    pltpu.sync_copy(wgt_v, wgt_hbm.at[wid])


def _route_sc(scores):
    nw = scores.shape[0]
    tpw = scores.shape[2]
    mesh = plsc.VectorSubcoreMesh(core_axis_name="c", subcore_axis_name="s")
    run = functools.partial(
        pl.kernel,
        mesh=mesh,
        out_type=[
            jax.ShapeDtypeStruct((nw, TOP_K, tpw), jnp.int32),
            jax.ShapeDtypeStruct((nw, TOP_K, tpw), jnp.float32),
        ],
        scratch_types=[
            pltpu.VMEM((N_EXPERTS, tpw), jnp.float32),
            pltpu.VMEM((TOP_K, tpw), jnp.int32),
            pltpu.VMEM((TOP_K, tpw), jnp.float32),
        ],
    )(_route_body)
    return run(scores)


def kernel(hidden_states, kernel):
    bsz, seq_len, h = hidden_states.shape
    t = bsz * seq_len
    hs = hidden_states.reshape(t, h)

    scores, aux = _scores_kernel(hs, kernel)
    idx2d, wgt2d = _route_sc(scores)

    topk_idx = idx2d.transpose(0, 2, 1).reshape(t, TOP_K)
    topk_weight = wgt2d.transpose(0, 2, 1).reshape(t, TOP_K)
    aux_loss = aux[0, 0]
    return (topk_idx, topk_weight, aux_loss)

# --- scband reference (transcript-rebuilt; emitter-appended) ---
"""Pipeline reference for scband-mo-egate-65816078844550 (READ-ONLY COPY).

The authoritative reference and input builder live on the scoring server;
editing this copy changes nothing except your own understanding.
"""

import jax, jax.numpy as jnp
import numpy as np
import math

N_EXPERTS = 8
TOP_K = 2
HIDDEN = 2048
BSZ = 4
SEQ = 8192
ALPHA = 0.001

def setup_inputs(seed: int = 0):
    key = jax.random.key(seed)
    k1, k2 = jax.random.split(key)
    hidden_states = jax.random.normal(k1, (BSZ, SEQ, HIDDEN), dtype=jnp.float32)
    bound = math.sqrt(3.0 * 2.0 / HIDDEN)
    kernel = jax.random.uniform(k2, (N_EXPERTS, HIDDEN), dtype=jnp.float32, minval=-bound, maxval=bound)
    return {"hidden_states": hidden_states, "kernel": kernel}

def reference(hidden_states, kernel):
    bsz, seq_len, h = hidden_states.shape
    hs = hidden_states.reshape(-1, h).astype(jnp.float32)
    logits = hs @ kernel.astype(jnp.float32).T
    scores = jax.nn.softmax(logits.astype(jnp.float32), axis=-1)
    # topk_method == 'gready'
    topk_weight, topk_idx = jax.lax.top_k(scores, TOP_K)
    # top_k > 1 and norm_topk_prob
    denominator = jnp.sum(topk_weight, axis=-1, keepdims=True) + 1e-20
    topk_weight = topk_weight / denominator
    # aux loss (alpha > 0, seq_aux == False)
    topk_idx_for_aux_loss = topk_idx.reshape(bsz, -1)
    mask_ce = jax.nn.one_hot(topk_idx_for_aux_loss.reshape(-1), num_classes=N_EXPERTS)
    ce = jnp.mean(mask_ce.astype(jnp.float32), axis=0)
    Pi = jnp.mean(scores, axis=0)
    fi = ce * N_EXPERTS
    aux_loss = jnp.sum(Pi * fi) * ALPHA
    return (topk_idx, topk_weight, aux_loss)

if __name__ == "__main__":
    import jax
    _d = setup_inputs()
    print(jax.jit(kernel)(*tuple(_d.values())))

</pallas_src>

<mosaic_0001>
#map = affine_map<(d0, d1) -> (0, 0, 0)>
module attributes {stable_mosaic.version = 14 : i64} {
  func.func @_route_body(%arg0: i32, %arg1: i32, %arg2: memref<32x8x1024xf32, #tpu.memory_space<hbm>>, %arg3: memref<32x2x1024xi32, #tpu.memory_space<hbm>>, %arg4: memref<32x2x1024xf32, #tpu.memory_space<hbm>>, %arg5: memref<8x1024xf32, #tpu.memory_space<vmem>>, %arg6: memref<2x1024xi32, #tpu.memory_space<vmem>>, %arg7: memref<2x1024xf32, #tpu.memory_space<vmem>>) attributes {dimension_semantics = [#tpu.dimension_semantics<core_parallel>, #tpu.dimension_semantics<subcore_parallel>], iteration_bounds = array<i64: 2, 16>, scalar_prefetch = 0 : i64, scratch_operands = 3 : i64, tpu.core_type = #tpu.core_type<sc_vector_subcore>, window_params = [{transform_indices = #map}, {transform_indices = #map}, {transform_indices = #map}]} {
    %mul3A = arith.constant 2 : i32
    %mul3A_0 = arith.muli %arg1, %mul3A : i32
    %add3A = arith.addi %mul3A_0, %arg0 : i32
    "tpu.region"() ({
      %run_scoped3A = tpu.sem_alloc : memref<!tpu.dma_semaphore, #tpu.memory_space<semaphore_mem>>
      %dma_start3A = arith.constant 0 : i32
      %dma_start3A_3 = arith.constant 0 : i32
      %dma_start3A_4 = tpu.memref_slice %arg2[%add3A, %dma_start3A, %dma_start3A_3] : memref<32x8x1024xf32, #tpu.memory_space<hbm>> -> memref<1x8x1024xf32, #tpu.memory_space<hbm>>
      %dma_start3A_5 = tpu.memref_squeeze %dma_start3A_4 : memref<1x8x1024xf32, #tpu.memory_space<hbm>> -> memref<8x1024xf32, #tpu.memory_space<hbm>>
      %dma_start3A_6 = arith.constant 0 : i32
      %dma_start3A_7 = arith.constant 0 : i32
      %dma_start3A_8 = tpu.memref_slice %arg2[%add3A, %dma_start3A_6, %dma_start3A_7] : memref<32x8x1024xf32, #tpu.memory_space<hbm>> -> memref<1x8x1024xf32, #tpu.memory_space<hbm>>
      %dma_start3A_9 = tpu.memref_squeeze %dma_start3A_8 : memref<1x8x1024xf32, #tpu.memory_space<hbm>> -> memref<8x1024xf32, #tpu.memory_space<hbm>>
      tpu.enqueue_dma source(%dma_start3A_9 : memref<8x1024xf32, #tpu.memory_space<hbm>>) target(%arg5 : memref<8x1024xf32, #tpu.memory_space<vmem>>) target_semaphore(%run_scoped3A : memref<!tpu.dma_semaphore, #tpu.memory_space<semaphore_mem>>)
      %dma_wait3A = arith.constant 0 : i32
      %dma_wait3A_10 = arith.constant 0 : i32
      %dma_wait3A_11 = tpu.memref_slice %arg2[%add3A, %dma_wait3A, %dma_wait3A_10] : memref<32x8x1024xf32, #tpu.memory_space<hbm>> -> memref<1x8x1024xf32, #tpu.memory_space<hbm>>
      %dma_wait3A_12 = tpu.memref_squeeze %dma_wait3A_11 : memref<1x8x1024xf32, #tpu.memory_space<hbm>> -> memref<8x1024xf32, #tpu.memory_space<hbm>>
      %dma_wait3A_13 = arith.constant 0 : i32
      %dma_wait3A_14 = arith.constant 0 : i32
      %dma_wait3A_15 = tpu.memref_slice %arg2[%add3A, %dma_wait3A_13, %dma_wait3A_14] : memref<32x8x1024xf32, #tpu.memory_space<hbm>> -> memref<1x8x1024xf32, #tpu.memory_space<hbm>>
      %dma_wait3A_16 = tpu.memref_squeeze %dma_wait3A_15 : memref<1x8x1024xf32, #tpu.memory_space<hbm>> -> memref<8x1024xf32, #tpu.memory_space<hbm>>
      tpu.wait_dma2 semaphore(%run_scoped3A : memref<!tpu.dma_semaphore, #tpu.memory_space<semaphore_mem>>) src(%dma_wait3A_16 : memref<8x1024xf32, #tpu.memory_space<hbm>>) dst(%arg5 : memref<8x1024xf32, #tpu.memory_space<vmem>>)
      tpu.yield
    }) : () -> ()
    %parallel_loop3A = arith.constant 0 : i32
    %parallel_loop3A_1 = arith.constant 64 : i32
    %parallel_loop3A_2 = arith.constant 1 : i32
    scf.for %parallel_loop3A_3 = %parallel_loop3A to %parallel_loop3A_1 step %parallel_loop3A_2  : i32 {
      %parallel_loop3A_4 = arith.constant 16 : i32
      %parallel_loop3A_5 = arith.muli %parallel_loop3A_3, %parallel_loop3A_4 : i32
      %parallel_loop3A_6 = arith.constant 0 : i32
      %parallel_loop3A_7 = arith.index_cast %parallel_loop3A_6 : i32 to index
      %parallel_loop3A_8 = arith.index_cast %parallel_loop3A_5 : i32 to index
      %parallel_loop3A_9 = tpu.vector_load %arg5[%parallel_loop3A_7, %parallel_loop3A_8] {strides = array<i32>} : memref<8x1024xf32, #tpu.memory_space<vmem>>, vector<1x16xf32>,
      %parallel_loop3A_10 = vector.shape_cast %parallel_loop3A_9 : vector<1x16xf32> to vector<16xf32>
      %parallel_loop3A_11 = arith.constant 1 : i32
      %parallel_loop3A_12 = arith.index_cast %parallel_loop3A_11 : i32 to index
      %parallel_loop3A_13 = arith.index_cast %parallel_loop3A_5 : i32 to index
      %parallel_loop3A_14 = tpu.vector_load %arg5[%parallel_loop3A_12, %parallel_loop3A_13] {strides = array<i32>} : memref<8x1024xf32, #tpu.memory_space<vmem>>, vector<1x16xf32>,
      %parallel_loop3A_15 = vector.shape_cast %parallel_loop3A_14 : vector<1x16xf32> to vector<16xf32>
      %parallel_loop3A_16 = arith.constant 2 : i32
      %parallel_loop3A_17 = arith.index_cast %parallel_loop3A_16 : i32 to index
      %parallel_loop3A_18 = arith.index_cast %parallel_loop3A_5 : i32 to index
      %parallel_loop3A_19 = tpu.vector_load %arg5[%parallel_loop3A_17, %parallel_loop3A_18] {strides = array<i32>} : memref<8x1024xf32, #tpu.memory_space<vmem>>, vector<1x16xf32>,
      %parallel_loop3A_20 = vector.shape_cast %parallel_loop3A_19 : vector<1x16xf32> to vector<16xf32>
      %parallel_loop3A_21 = arith.constant 3 : i32
      %parallel_loop3A_22 = arith.index_cast %parallel_loop3A_21 : i32 to index
      %parallel_loop3A_23 = arith.index_cast %parallel_loop3A_5 : i32 to index
      %parallel_loop3A_24 = tpu.vector_load %arg5[%parallel_loop3A_22, %parallel_loop3A_23] {strides = array<i32>} : memref<8x1024xf32, #tpu.memory_space<vmem>>, vector<1x16xf32>,
      %parallel_loop3A_25 = vector.shape_cast %parallel_loop3A_24 : vector<1x16xf32> to vector<16xf32>
      %parallel_loop3A_26 = arith.constant 4 : i32
      %parallel_loop3A_27 = arith.index_cast %parallel_loop3A_26 : i32 to index
      %parallel_loop3A_28 = arith.index_cast %parallel_loop3A_5 : i32 to index
      %parallel_loop3A_29 = tpu.vector_load %arg5[%parallel_loop3A_27, %parallel_loop3A_28] {strides = array<i32>} : memref<8x1024xf32, #tpu.memory_space<vmem>>, vector<1x16xf32>,
      %parallel_loop3A_30 = vector.shape_cast %parallel_loop3A_29 : vector<1x16xf32> to vector<16xf32>
      %parallel_loop3A_31 = arith.constant 5 : i32
      %parallel_loop3A_32 = arith.index_cast %parallel_loop3A_31 : i32 to index
      %parallel_loop3A_33 = arith.index_cast %parallel_loop3A_5 : i32 to index
      %parallel_loop3A_34 = tpu.vector_load %arg5[%parallel_loop3A_32, %parallel_loop3A_33] {strides = array<i32>} : memref<8x1024xf32, #tpu.memory_space<vmem>>, vector<1x16xf32>,
      %parallel_loop3A_35 = vector.shape_cast %parallel_loop3A_34 : vector<1x16xf32> to vector<16xf32>
      %parallel_loop3A_36 = arith.constant 6 : i32
      %parallel_loop3A_37 = arith.index_cast %parallel_loop3A_36 : i32 to index
      %parallel_loop3A_38 = arith.index_cast %parallel_loop3A_5 : i32 to index
      %parallel_loop3A_39 = tpu.vector_load %arg5[%parallel_loop3A_37, %parallel_loop3A_38] {strides = array<i32>} : memref<8x1024xf32, #tpu.memory_space<vmem>>, vector<1x16xf32>,
      %parallel_loop3A_40 = vector.shape_cast %parallel_loop3A_39 : vector<1x16xf32> to vector<16xf32>
      %parallel_loop3A_41 = arith.constant 7 : i32
      %parallel_loop3A_42 = arith.index_cast %parallel_loop3A_41 : i32 to index
      %parallel_loop3A_43 = arith.index_cast %parallel_loop3A_5 : i32 to index
      %parallel_loop3A_44 = tpu.vector_load %arg5[%parallel_loop3A_42, %parallel_loop3A_43] {strides = array<i32>} : memref<8x1024xf32, #tpu.memory_space<vmem>>, vector<1x16xf32>,
      %parallel_loop3A_45 = vector.shape_cast %parallel_loop3A_44 : vector<1x16xf32> to vector<16xf32>
      %parallel_loop3A_46 = arith.constant 0 : i32
      %parallel_loop3A_47 = vector.broadcast %parallel_loop3A_46 : i32 to vector<16xi32>
      %parallel_loop3A_48 = arith.cmpf ogt, %parallel_loop3A_15, %parallel_loop3A_10 : vector<16xf32>
      %parallel_loop3A_49 = arith.select %parallel_loop3A_48, %parallel_loop3A_15, %parallel_loop3A_10 : vector<16xi1>, vector<16xf32>
      %parallel_loop3A_50 = arith.constant 1 : i32
      %parallel_loop3A_51 = vector.broadcast %parallel_loop3A_50 : i32 to vector<16xi32>
      %parallel_loop3A_52 = arith.select %parallel_loop3A_48, %parallel_loop3A_51, %parallel_loop3A_47 : vector<16xi1>, vector<16xi32>
      %parallel_loop3A_53 = arith.cmpf ogt, %parallel_loop3A_20, %parallel_loop3A_49 : vector<16xf32>
      %parallel_loop3A_54 = arith.select %parallel_loop3A_53, %parallel_loop3A_20, %parallel_loop3A_49 : vector<16xi1>, vector<16xf32>
      %parallel_loop3A_55 = arith.constant 2 : i32
      %parallel_loop3A_56 = vector.broadcast %parallel_loop3A_55 : i32 to vector<16xi32>
      %parallel_loop3A_57 = arith.select %parallel_loop3A_53, %parallel_loop3A_56, %parallel_loop3A_52 : vector<16xi1>, vector<16xi32>
      %parallel_loop3A_58 = arith.cmpf ogt, %parallel_loop3A_25, %parallel_loop3A_54 : vector<16xf32>
      %parallel_loop3A_59 = arith.select %parallel_loop3A_58, %parallel_loop3A_25, %parallel_loop3A_54 : vector<16xi1>, vector<16xf32>
      %parallel_loop3A_60 = arith.constant 3 : i32
      %parallel_loop3A_61 = vector.broadcast %parallel_loop3A_60 : i32 to vector<16xi32>
      %parallel_loop3A_62 = arith.select %parallel_loop3A_58, %parallel_loop3A_61, %parallel_loop3A_57 : vector<16xi1>, vector<16xi32>
      %parallel_loop3A_63 = arith.cmpf ogt, %parallel_loop3A_30, %parallel_loop3A_59 : vector<16xf32>
      %parallel_loop3A_64 = arith.select %parallel_loop3A_63, %parallel_loop3A_30, %parallel_loop3A_59 : vector<16xi1>, vector<16xf32>
      %parallel_loop3A_65 = arith.constant 4 : i32
      %parallel_loop3A_66 = vector.broadcast %parallel_loop3A_65 : i32 to vector<16xi32>
      %parallel_loop3A_67 = arith.select %parallel_loop3A_63, %parallel_loop3A_66, %parallel_loop3A_62 : vector<16xi1>, vector<16xi32>
      %parallel_loop3A_68 = arith.cmpf ogt, %parallel_loop3A_35, %parallel_loop3A_64 : vector<16xf32>
      %parallel_loop3A_69 = arith.select %parallel_loop3A_68, %parallel_loop3A_35, %parallel_loop3A_64 : vector<16xi1>, vector<16xf32>
      %parallel_loop3A_70 = arith.constant 5 : i32
      %parallel_loop3A_71 = vector.broadcast %parallel_loop3A_70 : i32 to vector<16xi32>
      %parallel_loop3A_72 = arith.select %parallel_loop3A_68, %parallel_loop3A_71, %parallel_loop3A_67 : vector<16xi1>, vector<16xi32>
      %parallel_loop3A_73 = arith.cmpf ogt, %parallel_loop3A_40, %parallel_loop3A_69 : vector<16xf32>
      %parallel_loop3A_74 = arith.select %parallel_loop3A_73, %parallel_loop3A_40, %parallel_loop3A_69 : vector<16xi1>, vector<16xf32>
      %parallel_loop3A_75 = arith.constant 6 : i32
      %parallel_loop3A_76 = vector.broadcast %parallel_loop3A_75 : i32 to vector<16xi32>
      %parallel_loop3A_77 = arith.select %parallel_loop3A_73, %parallel_loop3A_76, %parallel_loop3A_72 : vector<16xi1>, vector<16xi32>
      %parallel_loop3A_78 = arith.cmpf ogt, %parallel_loop3A_45, %parallel_loop3A_74 : vector<16xf32>
      %parallel_loop3A_79 = arith.select %parallel_loop3A_78, %parallel_loop3A_45, %parallel_loop3A_74 : vector<16xi1>, vector<16xf32>
      %parallel_loop3A_80 = arith.constant 7 : i32
      %parallel_loop3A_81 = vector.broadcast %parallel_loop3A_80 : i32 to vector<16xi32>
      %parallel_loop3A_82 = arith.select %parallel_loop3A_78, %parallel_loop3A_81, %parallel_loop3A_77 : vector<16xi1>, vector<16xi32>
      %parallel_loop3A_83 = arith.constant -1.000000e+00 : f32
      %parallel_loop3A_84 = vector.broadcast %parallel_loop3A_83 : f32 to vector<16xf32>
      %parallel_loop3A_85 = arith.constant 0 : i32
      %parallel_loop3A_86 = vector.broadcast %parallel_loop3A_85 : i32 to vector<16xi32>
      %parallel_loop3A_87 = arith.cmpf ogt, %parallel_loop3A_10, %parallel_loop3A_84 : vector<16xf32>
      %parallel_loop3A_88 = arith.constant 0 : i32
      %parallel_loop3A_89 = vector.broadcast %parallel_loop3A_88 : i32 to vector<16xi32>
      %parallel_loop3A_90 = arith.cmpi ne, %parallel_loop3A_82, %parallel_loop3A_89 : vector<16xi32>
      %parallel_loop3A_91 = arith.andi %parallel_loop3A_87, %parallel_loop3A_90 : vector<16xi1>
      %parallel_loop3A_92 = arith.select %parallel_loop3A_91, %parallel_loop3A_10, %parallel_loop3A_84 : vector<16xi1>, vector<16xf32>
      %parallel_loop3A_93 = arith.constant 0 : i32
      %parallel_loop3A_94 = vector.broadcast %parallel_loop3A_93 : i32 to vector<16xi32>
      %parallel_loop3A_95 = arith.select %parallel_loop3A_91, %parallel_loop3A_94, %parallel_loop3A_86 : vector<16xi1>, vector<16xi32>
      %parallel_loop3A_96 = arith.cmpf ogt, %parallel_loop3A_15, %parallel_loop3A_92 : vector<16xf32>
      %parallel_loop3A_97 = arith.constant 1 : i32
      %parallel_loop3A_98 = vector.broadcast %parallel_loop3A_97 : i32 to vector<16xi32>
      %parallel_loop3A_99 = arith.cmpi ne, %parallel_loop3A_82, %parallel_loop3A_98 : vector<16xi32>
      %parallel_loop3A_100 = arith.andi %parallel_loop3A_96, %parallel_loop3A_99 : vector<16xi1>
      %parallel_loop3A_101 = arith.select %parallel_loop3A_100, %parallel_loop3A_15, %parallel_loop3A_92 : vector<16xi1>, vector<16xf32>
      %parallel_loop3A_102 = arith.constant 1 : i32
      %parallel_loop3A_103 = vector.broadcast %parallel_loop3A_102 : i32 to vector<16xi32>
      %parallel_loop3A_104 = arith.select %parallel_loop3A_100, %parallel_loop3A_103, %parallel_loop3A_95 : vector<16xi1>, vector<16xi32>
      %parallel_loop3A_105 = arith.cmpf ogt, %parallel_loop3A_20, %parallel_loop3A_101 : vector<16xf32>
      %parallel_loop3A_106 = arith.constant 2 : i32
      %parallel_loop3A_107 = vector.broadcast %parallel_loop3A_106 : i32 to vector<16xi32>
      %parallel_loop3A_108 = arith.cmpi ne, %parallel_loop3A_82, %parallel_loop3A_107 : vector<16xi32>
      %parallel_loop3A_109 = arith.andi %parallel_loop3A_105, %parallel_loop3A_108 : vector<16xi1>
      %parallel_loop3A_110 = arith.select %parallel_loop3A_109, %parallel_loop3A_20, %parallel_loop3A_101 : vector<16xi1>, vector<16xf32>
      %parallel_loop3A_111 = arith.constant 2 : i32
      %parallel_loop3A_112 = vector.broadcast %parallel_loop3A_111 : i32 to vector<16xi32>
      %parallel_loop3A_113 = arith.select %parallel_loop3A_109, %parallel_loop3A_112, %parallel_loop3A_104 : vector<16xi1>, vector<16xi32>
      %parallel_loop3A_114 = arith.cmpf ogt, %parallel_loop3A_25, %parallel_loop3A_110 : vector<16xf32>
      %parallel_loop3A_115 = arith.constant 3 : i32
      %parallel_loop3A_116 = vector.broadcast %parallel_loop3A_115 : i32 to vector<16xi32>
      %parallel_loop3A_117 = arith.cmpi ne, %parallel_loop3A_82, %parallel_loop3A_116 : vector<16xi32>
      %parallel_loop3A_118 = arith.andi %parallel_loop3A_114, %parallel_loop3A_117 : vector<16xi1>
      %parallel_loop3A_119 = arith.select %parallel_loop3A_118, %parallel_loop3A_25, %parallel_loop3A_110 : vector<16xi1>, vector<16xf32>
      %parallel_loop3A_120 = arith.constant 3 : i32
      %parallel_loop3A_121 = vector.broadcast %parallel_loop3A_120 : i32 to vector<16xi32>
      %parallel_loop3A_122 = arith.select %parallel_loop3A_118, %parallel_loop3A_121, %parallel_loop3A_113 : vector<16xi1>, vector<16xi32>
      %parallel_loop3A_123 = arith.cmpf ogt, %parallel_loop3A_30, %parallel_loop3A_119 : vector<16xf32>
      %parallel_loop3A_124 = arith.constant 4 : i32
      %parallel_loop3A_125 = vector.broadcast %parallel_loop3A_124 : i32 to vector<16xi32>
      %parallel_loop3A_126 = arith.cmpi ne, %parallel_loop3A_82, %parallel_loop3A_125 : vector<16xi32>
      %parallel_loop3A_127 = arith.andi %parallel_loop3A_123, %parallel_loop3A_126 : vector<16xi1>
      %parallel_loop3A_128 = arith.select %parallel_loop3A_127, %parallel_loop3A_30, %parallel_loop3A_119 : vector<16xi1>, vector<16xf32>
      %parallel_loop3A_129 = arith.constant 4 : i32
      %parallel_loop3A_130 = vector.broadcast %parallel_loop3A_129 : i32 to vector<16xi32>
      %parallel_loop3A_131 = arith.select %parallel_loop3A_127, %parallel_loop3A_130, %parallel_loop3A_122 : vector<16xi1>, vector<16xi32>
      %parallel_loop3A_132 = arith.cmpf ogt, %parallel_loop3A_35, %parallel_loop3A_128 : vector<16xf32>
      %parallel_loop3A_133 = arith.constant 5 : i32
      %parallel_loop3A_134 = vector.broadcast %parallel_loop3A_133 : i32 to vector<16xi32>
      %parallel_loop3A_135 = arith.cmpi ne, %parallel_loop3A_82, %parallel_loop3A_134 : vector<16xi32>
      %parallel_loop3A_136 = arith.andi %parallel_loop3A_132, %parallel_loop3A_135 : vector<16xi1>
      %parallel_loop3A_137 = arith.select %parallel_loop3A_136, %parallel_loop3A_35, %parallel_loop3A_128 : vector<16xi1>, vector<16xf32>
      %parallel_loop3A_138 = arith.constant 5 : i32
      %parallel_loop3A_139 = vector.broadcast %parallel_loop3A_138 : i32 to vector<16xi32>
      %parallel_loop3A_140 = arith.select %parallel_loop3A_136, %parallel_loop3A_139, %parallel_loop3A_131 : vector<16xi1>, vector<16xi32>
      %parallel_loop3A_141 = arith.cmpf ogt, %parallel_loop3A_40, %parallel_loop3A_137 : vector<16xf32>
      %parallel_loop3A_142 = arith.constant 6 : i32
      %parallel_loop3A_143 = vector.broadcast %parallel_loop3A_142 : i32 to vector<16xi32>
      %parallel_loop3A_144 = arith.cmpi ne, %parallel_loop3A_82, %parallel_loop3A_143 : vector<16xi32>
      %parallel_loop3A_145 = arith.andi %parallel_loop3A_141, %parallel_loop3A_144 : vector<16xi1>
      %parallel_loop3A_146 = arith.select %parallel_loop3A_145, %parallel_loop3A_40, %parallel_loop3A_137 : vector<16xi1>, vector<16xf32>
      %parallel_loop3A_147 = arith.constant 6 : i32
      %parallel_loop3A_148 = vector.broadcast %parallel_loop3A_147 : i32 to vector<16xi32>
      %parallel_loop3A_149 = arith.select %parallel_loop3A_145, %parallel_loop3A_148, %parallel_loop3A_140 : vector<16xi1>, vector<16xi32>
      %parallel_loop3A_150 = arith.cmpf ogt, %parallel_loop3A_45, %parallel_loop3A_146 : vector<16xf32>
      %parallel_loop3A_151 = arith.constant 7 : i32
      %parallel_loop3A_152 = vector.broadcast %parallel_loop3A_151 : i32 to vector<16xi32>
      %parallel_loop3A_153 = arith.cmpi ne, %parallel_loop3A_82, %parallel_loop3A_152 : vector<16xi32>
      %parallel_loop3A_154 = arith.andi %parallel_loop3A_150, %parallel_loop3A_153 : vector<16xi1>
      %parallel_loop3A_155 = arith.select %parallel_loop3A_154, %parallel_loop3A_45, %parallel_loop3A_146 : vector<16xi1>, vector<16xf32>
      %parallel_loop3A_156 = arith.constant 7 : i32
      %parallel_loop3A_157 = vector.broadcast %parallel_loop3A_156 : i32 to vector<16xi32>
      %parallel_loop3A_158 = arith.select %parallel_loop3A_154, %parallel_loop3A_157, %parallel_loop3A_149 : vector<16xi1>, vector<16xi32>
      %parallel_loop3A_159 = arith.addf %parallel_loop3A_79, %parallel_loop3A_155 : vector<16xf32>
      %parallel_loop3A_160 = arith.constant 9.99999968E-21 : f32
      %parallel_loop3A_161 = vector.broadcast %parallel_loop3A_160 : f32 to vector<16xf32>
      %parallel_loop3A_162 = arith.addf %parallel_loop3A_159, %parallel_loop3A_161 : vector<16xf32>
      %parallel_loop3A_163 = arith.constant 1.000000e+00 : f32
      %parallel_loop3A_164 = vector.broadcast %parallel_loop3A_163 : f32 to vector<16xf32>
      %parallel_loop3A_165 = arith.divf %parallel_loop3A_164, %parallel_loop3A_162 : vector<16xf32>
      %parallel_loop3A_166 = arith.constant 16 : i32
      %parallel_loop3A_167 = arith.muli %parallel_loop3A_3, %parallel_loop3A_166 : i32
      %parallel_loop3A_168 = arith.constant 0 : i32
      %parallel_loop3A_169 = arith.index_cast %parallel_loop3A_168 : i32 to index
      %parallel_loop3A_170 = arith.index_cast %parallel_loop3A_167 : i32 to index
      %parallel_loop3A_171 = tpu.vector_load %arg6[%parallel_loop3A_169, %parallel_loop3A_170] {strides = array<i32>} : memref<2x1024xi32, #tpu.memory_space<vmem>>, vector<1x16xi32>,
      %parallel_loop3A_172 = vector.shape_cast %parallel_loop3A_171 : vector<1x16xi32> to vector<16xi32>
      %parallel_loop3A_173 = vector.shape_cast %parallel_loop3A_82 : vector<16xi32> to vector<1x16xi32>
      tpu.vector_store %arg6[%parallel_loop3A_169, %parallel_loop3A_170], %parallel_loop3A_173 {strides = array<i32>} : memref<2x1024xi32, #tpu.memory_space<vmem>>, vector<1x16xi32>,
      %parallel_loop3A_174 = arith.constant 1 : i32
      %parallel_loop3A_175 = arith.index_cast %parallel_loop3A_174 : i32 to index
      %parallel_loop3A_176 = arith.index_cast %parallel_loop3A_167 : i32 to index
      %parallel_loop3A_177 = tpu.vector_load %arg6[%parallel_loop3A_175, %parallel_loop3A_176] {strides = array<i32>} : memref<2x1024xi32, #tpu.memory_space<vmem>>, vector<1x16xi32>,
      %parallel_loop3A_178 = vector.shape_cast %parallel_loop3A_177 : vector<1x16xi32> to vector<16xi32>
      %parallel_loop3A_179 = vector.shape_cast %parallel_loop3A_158 : vector<16xi32> to vector<1x16xi32>
      tpu.vector_store %arg6[%parallel_loop3A_175, %parallel_loop3A_176], %parallel_loop3A_179 {strides = array<i32>} : memref<2x1024xi32, #tpu.memory_space<vmem>>, vector<1x16xi32>,
      %parallel_loop3A_180 = arith.mulf %parallel_loop3A_79, %parallel_loop3A_165 : vector<16xf32>
      %parallel_loop3A_181 = arith.constant 0 : i32
      %parallel_loop3A_182 = arith.index_cast %parallel_loop3A_181 : i32 to index
      %parallel_loop3A_183 = arith.index_cast %parallel_loop3A_167 : i32 to index
      %parallel_loop3A_184 = tpu.vector_load %arg7[%parallel_loop3A_182, %parallel_loop3A_183] {strides = array<i32>} : memref<2x1024xf32, #tpu.memory_space<vmem>>, vector<1x16xf32>,
      %parallel_loop3A_185 = vector.shape_cast %parallel_loop3A_184 : vector<1x16xf32> to vector<16xf32>
      %parallel_loop3A_186 = vector.shape_cast %parallel_loop3A_180 : vector<16xf32> to vector<1x16xf32>
      tpu.vector_store %arg7[%parallel_loop3A_182, %parallel_loop3A_183], %parallel_loop3A_186 {strides = array<i32>} : memref<2x1024xf32, #tpu.memory_space<vmem>>, vector<1x16xf32>,
      %parallel_loop3A_187 = arith.mulf %parallel_loop3A_155, %parallel_loop3A_165 : vector<16xf32>
      %parallel_loop3A_188 = arith.constant 1 : i32
      %parallel_loop3A_189 = arith.index_cast %parallel_loop3A_188 : i32 to index
      %parallel_loop3A_190 = arith.index_cast %parallel_loop3A_167 : i32 to index
      %parallel_loop3A_191 = tpu.vector_load %arg7[%parallel_loop3A_189, %parallel_loop3A_190] {strides = array<i32>} : memref<2x1024xf32, #tpu.memory_space<vmem>>, vector<1x16xf32>,
      %parallel_loop3A_192 = vector.shape_cast %parallel_loop3A_191 : vector<1x16xf32> to vector<16xf32>
      %parallel_loop3A_193 = vector.shape_cast %parallel_loop3A_187 : vector<16xf32> to vector<1x16xf32>
      tpu.vector_store %arg7[%parallel_loop3A_189, %parallel_loop3A_190], %parallel_loop3A_193 {strides = array<i32>} : memref<2x1024xf32, #tpu.memory_space<vmem>>, vector<1x16xf32>,
    } {sc.loop_unroll_factor = 8 : i64, sc.parallel_access}
    "tpu.region"() ({
      %run_scoped3A = tpu.sem_alloc : memref<!tpu.dma_semaphore, #tpu.memory_space<semaphore_mem>>
      %dma_start3A = arith.constant 0 : i32
      %dma_start3A_3 = arith.constant 0 : i32
      %dma_start3A_4 = tpu.memref_slice %arg3[%add3A, %dma_start3A, %dma_start3A_3] : memref<32x2x1024xi32, #tpu.memory_space<hbm>> -> memref<1x2x1024xi32, #tpu.memory_space<hbm>>
      %dma_start3A_5 = tpu.memref_squeeze %dma_start3A_4 : memref<1x2x1024xi32, #tpu.memory_space<hbm>> -> memref<2x1024xi32, #tpu.memory_space<hbm>>
      %dma_start3A_6 = arith.constant 0 : i32
      %dma_start3A_7 = arith.constant 0 : i32
      %dma_start3A_8 = tpu.memref_slice %arg3[%add3A, %dma_start3A_6, %dma_start3A_7] : memref<32x2x1024xi32, #tpu.memory_space<hbm>> -> memref<1x2x1024xi32, #tpu.memory_space<hbm>>
      %dma_start3A_9 = tpu.memref_squeeze %dma_start3A_8 : memref<1x2x1024xi32, #tpu.memory_space<hbm>> -> memref<2x1024xi32, #tpu.memory_space<hbm>>
      tpu.enqueue_dma source(%arg6 : memref<2x1024xi32, #tpu.memory_space<vmem>>) target(%dma_start3A_9 : memref<2x1024xi32, #tpu.memory_space<hbm>>) target_semaphore(%run_scoped3A : memref<!tpu.dma_semaphore, #tpu.memory_space<semaphore_mem>>)
      %dma_wait3A = arith.constant 0 : i32
      %dma_wait3A_10 = arith.constant 0 : i32
      %dma_wait3A_11 = tpu.memref_slice %arg3[%add3A, %dma_wait3A, %dma_wait3A_10] : memref<32x2x1024xi32, #tpu.memory_space<hbm>> -> memref<1x2x1024xi32, #tpu.memory_space<hbm>>
      %dma_wait3A_12 = tpu.memref_squeeze %dma_wait3A_11 : memref<1x2x1024xi32, #tpu.memory_space<hbm>> -> memref<2x1024xi32, #tpu.memory_space<hbm>>
      %dma_wait3A_13 = arith.constant 0 : i32
      %dma_wait3A_14 = arith.constant 0 : i32
      %dma_wait3A_15 = tpu.memref_slice %arg3[%add3A, %dma_wait3A_13, %dma_wait3A_14] : memref<32x2x1024xi32, #tpu.memory_space<hbm>> -> memref<1x2x1024xi32, #tpu.memory_space<hbm>>
      %dma_wait3A_16 = tpu.memref_squeeze %dma_wait3A_15 : memref<1x2x1024xi32, #tpu.memory_space<hbm>> -> memref<2x1024xi32, #tpu.memory_space<hbm>>
      tpu.wait_dma2 semaphore(%run_scoped3A : memref<!tpu.dma_semaphore, #tpu.memory_space<semaphore_mem>>) src(%arg6 : memref<2x1024xi32, #tpu.memory_space<vmem>>) dst(%dma_wait3A_16 : memref<2x1024xi32, #tpu.memory_space<hbm>>)
      tpu.yield
    }) : () -> ()
    "tpu.region"() ({
      %run_scoped3A = tpu.sem_alloc : memref<!tpu.dma_semaphore, #tpu.memory_space<semaphore_mem>>
      %dma_start3A = arith.constant 0 : i32
      %dma_start3A_3 = arith.constant 0 : i32
      %dma_start3A_4 = tpu.memref_slice %arg4[%add3A, %dma_start3A, %dma_start3A_3] : memref<32x2x1024xf32, #tpu.memory_space<hbm>> -> memref<1x2x1024xf32, #tpu.memory_space<hbm>>
      %dma_start3A_5 = tpu.memref_squeeze %dma_start3A_4 : memref<1x2x1024xf32, #tpu.memory_space<hbm>> -> memref<2x1024xf32, #tpu.memory_space<hbm>>
      %dma_start3A_6 = arith.constant 0 : i32
      %dma_start3A_7 = arith.constant 0 : i32
      %dma_start3A_8 = tpu.memref_slice %arg4[%add3A, %dma_start3A_6, %dma_start3A_7] : memref<32x2x1024xf32, #tpu.memory_space<hbm>> -> memref<1x2x1024xf32, #tpu.memory_space<hbm>>
      %dma_start3A_9 = tpu.memref_squeeze %dma_start3A_8 : memref<1x2x1024xf32, #tpu.memory_space<hbm>> -> memref<2x1024xf32, #tpu.memory_space<hbm>>
      tpu.enqueue_dma source(%arg7 : memref<2x1024xf32, #tpu.memory_space<vmem>>) target(%dma_start3A_9 : memref<2x1024xf32, #tpu.memory_space<hbm>>) target_semaphore(%run_scoped3A : memref<!tpu.dma_semaphore, #tpu.memory_space<semaphore_mem>>)
      %dma_wait3A = arith.constant 0 : i32
      %dma_wait3A_10 = arith.constant 0 : i32
      %dma_wait3A_11 = tpu.memref_slice %arg4[%add3A, %dma_wait3A, %dma_wait3A_10] : memref<32x2x1024xf32, #tpu.memory_space<hbm>> -> memref<1x2x1024xf32, #tpu.memory_space<hbm>>
      %dma_wait3A_12 = tpu.memref_squeeze %dma_wait3A_11 : memref<1x2x1024xf32, #tpu.memory_space<hbm>> -> memref<2x1024xf32, #tpu.memory_space<hbm>>
      %dma_wait3A_13 = arith.constant 0 : i32
      %dma_wait3A_14 = arith.constant 0 : i32
      %dma_wait3A_15 = tpu.memref_slice %arg4[%add3A, %dma_wait3A_13, %dma_wait3A_14] : memref<32x2x1024xf32, #tpu.memory_space<hbm>> -> memref<1x2x1024xf32, #tpu.memory_space<hbm>>
      %dma_wait3A_16 = tpu.memref_squeeze %dma_wait3A_15 : memref<1x2x1024xf32, #tpu.memory_space<hbm>> -> memref<2x1024xf32, #tpu.memory_space<hbm>>
      tpu.wait_dma2 semaphore(%run_scoped3A : memref<!tpu.dma_semaphore, #tpu.memory_space<semaphore_mem>>) src(%arg7 : memref<2x1024xf32, #tpu.memory_space<vmem>>) dst(%dma_wait3A_16 : memref<2x1024xf32, #tpu.memory_space<hbm>>)
      tpu.yield
    }) : () -> ()
    return
  }
}

module attributes {stable_mosaic.version = 14 : i64} {
  func.func @_gate_block(%arg0: i32, %arg1: memref<1024x2048xf32, #tpu.memory_space<vmem>>, %arg2: memref<8x2048xf32, #tpu.memory_space<vmem>>, %arg3: memref<1x8x1024xf32, #tpu.memory_space<vmem>>, %arg4: memref<8x128xf32, #tpu.memory_space<vmem>>, %arg5: memref<16x1024xf32, #tpu.memory_space<vmem>>) attributes {dimension_semantics = [#tpu.dimension_semantics<arbitrary>], iteration_bounds = array<i64: 32>, scalar_prefetch = 0 : i64, scratch_operands = 1 : i64, tpu.core_type = #tpu.core_type<tc>, window_params = [{transform_indices = @transform_0, window_bounds = array<i64: 1024, 2048>}, {pipeline_mode = #tpu.pipeline_mode<synchronous>, transform_indices = @transform_1, window_bounds = array<i64: 8, 2048>}, {transform_indices = @transform_2, window_bounds = array<i64: 1, 8, 1024>}, {pipeline_mode = #tpu.pipeline_mode<synchronous>, transform_indices = @transform_3, window_bounds = array<i64: 8, 128>}]} {
    %get3A = arith.constant 0 : index
    %get3A_0 = arith.constant 0 : index
    %get3A_1 = vector.load %arg1[%get3A, %get3A_0] : memref<1024x2048xf32, #tpu.memory_space<vmem>>, vector<1024x2048xf32>
    %get3A_2 = arith.constant 0 : index
    %get3A_3 = arith.constant 0 : index
    %get3A_4 = vector.load %arg2[%get3A_2, %get3A_3] : memref<8x2048xf32, #tpu.memory_space<vmem>>, vector<8x2048xf32>
    %dot_general3A = arith.constant dense<0.000000e+00> : vector<8x1024xf32>
    %dot_general3A_5 = tpu.matmul %get3A_4, %get3A_1, %dot_general3A {dimension_numbers = #tpu.dot_dimension_numbers<[1], [1], [0], [0], [0, 0, 1, 0], [], []>, transpose_lhs_hint = false} : vector<8x2048xf32>, vector<1024x2048xf32>, vector<8x1024xf32> -> vector<8x1024xf32>
    %reduce_max3A = arith.constant dense<0xFF800000> : vector<1024xf32>
    %reduce_max3A_6 = vector.multi_reduction <maximumf>, %dot_general3A_5, %reduce_max3A [0] : vector<8x1024xf32> to vector<1024xf32>
    %broadcast_in_dim3A = vector.shape_cast %reduce_max3A_6 : vector<1024xf32> to vector<1x1024xf32>
    %sub3A = vector.broadcast %broadcast_in_dim3A : vector<1x1024xf32> to vector<8x1024xf32>
    %sub3A_7 = arith.subf %dot_general3A_5, %sub3A : vector<8x1024xf32>
    %exp3A = math.exp %sub3A_7 : vector<8x1024xf32>
    %reduce_sum3A = arith.constant dense<0.000000e+00> : vector<1024xf32>
    %reduce_sum3A_8 = vector.multi_reduction <add>, %exp3A, %reduce_sum3A [0] : vector<8x1024xf32> to vector<1024xf32>
    %broadcast_in_dim3A_9 = vector.shape_cast %reduce_sum3A_8 : vector<1024xf32> to vector<1x1024xf32>
    %div3A = vector.broadcast %broadcast_in_dim3A_9 : vector<1x1024xf32> to vector<8x1024xf32>
    %div3A_10 = arith.divf %exp3A, %div3A : vector<8x1024xf32>
    %swap3A = arith.constant 0 : index
    %swap3A_11 = arith.constant 0 : index
    %swap3A_12 = arith.constant 0 : index
    %swap3A_13 = vector.load %arg3[%swap3A, %swap3A_11, %swap3A_12] : memref<1x8x1024xf32, #tpu.memory_space<vmem>>, vector<1x8x1024xf32>
    %swap3A_14 = vector.shape_cast %swap3A_13 : vector<1x8x1024xf32> to vector<8x1024xf32>
    %swap3A_15 = vector.shape_cast %div3A_10 : vector<8x1024xf32> to vector<1x8x1024xf32>
    tpu.vector_store %arg3[%swap3A, %swap3A_11, %swap3A_12], %swap3A_15 {strides = array<i32>} : memref<1x8x1024xf32, #tpu.memory_space<vmem>>, vector<1x8x1024xf32>,
    %iota3A = tpu.iota {dimensions = array<i32: 0>} : vector<8x1024xi32>
    %reduce_max3A_16 = arith.constant dense<0xFF800000> : vector<1024xf32>
    %reduce_max3A_17 = vector.multi_reduction <maximumf>, %div3A_10, %reduce_max3A_16 [0] : vector<8x1024xf32> to vector<1024xf32>
    %broadcast_in_dim3A_18 = vector.shape_cast %reduce_max3A_17 : vector<1024xf32> to vector<1x1024xf32>
    %eq3A = vector.broadcast %broadcast_in_dim3A_18 : vector<1x1024xf32> to vector<8x1024xf32>
    %eq3A_19 = arith.cmpf oeq, %div3A_10, %eq3A : vector<8x1024xf32>
    %jit3A = arith.constant 8 : i32
    %broadcast_in_dim3A_20 = vector.broadcast %jit3A : i32 to vector<8x1024xi32>
    %select_n3A = arith.select %eq3A_19, %iota3A, %broadcast_in_dim3A_20 : vector<8x1024xi1>, vector<8x1024xi32>
    %reduce_min3A = arith.constant dense<2147483647> : vector<1024xi32>
    %reduce_min3A_21 = vector.multi_reduction <minsi>, %select_n3A, %reduce_min3A [0] : vector<8x1024xi32> to vector<1024xi32>
    %broadcast_in_dim3A_22 = vector.shape_cast %reduce_min3A_21 : vector<1024xi32> to vector<1x1024xi32>
    %eq3A_23 = vector.broadcast %broadcast_in_dim3A_22 : vector<1x1024xi32> to vector<8x1024xi32>
    %eq3A_24 = arith.cmpi eq, %iota3A, %eq3A_23 : vector<8x1024xi32>
    %jit3A_25 = arith.constant -1.000000e+00 : f32
    %broadcast_in_dim3A_26 = vector.broadcast %jit3A_25 : f32 to vector<8x1024xf32>
    %select_n3A_27 = arith.select %eq3A_24, %broadcast_in_dim3A_26, %div3A_10 : vector<8x1024xi1>, vector<8x1024xf32>
    %reduce_max3A_28 = arith.constant dense<0xFF800000> : vector<1024xf32>
    %reduce_max3A_29 = vector.multi_reduction <maximumf>, %select_n3A_27, %reduce_max3A_28 [0] : vector<8x1024xf32> to vector<1024xf32>
    %broadcast_in_dim3A_30 = vector.shape_cast %reduce_max3A_29 : vector<1024xf32> to vector<1x1024xf32>
    %eq3A_31 = vector.broadcast %broadcast_in_dim3A_30 : vector<1x1024xf32> to vector<8x1024xf32>
    %eq3A_32 = arith.cmpf oeq, %select_n3A_27, %eq3A_31 : vector<8x1024xf32>
    %jit3A_33 = arith.constant 8 : i32
    %broadcast_in_dim3A_34 = vector.broadcast %jit3A_33 : i32 to vector<8x1024xi32>
    %select_n3A_35 = arith.select %eq3A_32, %iota3A, %broadcast_in_dim3A_34 : vector<8x1024xi1>, vector<8x1024xi32>
    %reduce_min3A_36 = arith.constant dense<2147483647> : vector<1024xi32>
    %reduce_min3A_37 = vector.multi_reduction <minsi>, %select_n3A_35, %reduce_min3A_36 [0] : vector<8x1024xi32> to vector<1024xi32>
    %broadcast_in_dim3A_38 = vector.shape_cast %reduce_min3A_37 : vector<1024xi32> to vector<1x1024xi32>
    %eq3A_39 = vector.broadcast %broadcast_in_dim3A_38 : vector<1x1024xi32> to vector<8x1024xi32>
    %eq3A_40 = arith.cmpi eq, %iota3A, %eq3A_39 : vector<8x1024xi32>
    %or3A = arith.ori %eq3A_24, %eq3A_40 : vector<8x1024xi1>
    %jit3A_41 = arith.constant 1.000000e+00 : f32
    %jit3A_42 = arith.constant 0.000000e+00 : f32
    %broadcast_in_dim3A_43 = vector.broadcast %jit3A_41 : f32 to vector<8x1024xf32>
    %broadcast_in_dim3A_44 = vector.broadcast %jit3A_42 : f32 to vector<8x1024xf32>
    %select_n3A_45 = arith.select %or3A, %broadcast_in_dim3A_43, %broadcast_in_dim3A_44 : vector<8x1024xi1>, vector<8x1024xf32>
    %concatenate3A = tpu.concatenate %div3A_10, %select_n3A_45 in 0 : vector<8x1024xf32>, vector<8x1024xf32> -> vector<16x1024xf32>
    %eq3A_46 = arith.constant 0 : i32
    %eq3A_47 = arith.cmpi eq, %arg0, %eq3A_46 : i32
    %convert_element_type3A = arith.extui %eq3A_47 : i1 to i32
    %cond3A = arith.constant 0 : i32
    %cond3A_48 = arith.cmpi ne, %convert_element_type3A, %cond3A : i32
    scf.if %cond3A_48 {
      %swap3A_58 = arith.constant 0 : index
      %swap3A_59 = arith.constant 0 : index
      %swap3A_60 = vector.load %arg5[%swap3A_58, %swap3A_59] : memref<16x1024xf32, #tpu.memory_space<vmem>>, vector<16x1024xf32>
      tpu.vector_store %arg5[%swap3A_58, %swap3A_59], %concatenate3A {strides = array<i32>} : memref<16x1024xf32, #tpu.memory_space<vmem>>, vector<16x1024xf32>,
    } else {
    }
    %gt3A = arith.constant 0 : i32
    %gt3A_49 = arith.cmpi sgt, %arg0, %gt3A : i32
    %convert_element_type3A_50 = arith.extui %gt3A_49 : i1 to i32
    %cond3A_51 = arith.constant 0 : i32
    %cond3A_52 = arith.cmpi ne, %convert_element_type3A_50, %cond3A_51 : i32
    scf.if %cond3A_52 {
      %get3A_58 = arith.constant 0 : index
      %get3A_59 = arith.constant 0 : index
      %get3A_60 = vector.load %arg5[%get3A_58, %get3A_59] : memref<16x1024xf32, #tpu.memory_space<vmem>>, vector<16x1024xf32>
      %add3A = arith.addf %get3A_60, %concatenate3A : vector<16x1024xf32>
      %swap3A_61 = arith.constant 0 : index
      %swap3A_62 = arith.constant 0 : index
      %swap3A_63 = vector.load %arg5[%swap3A_61, %swap3A_62] : memref<16x1024xf32, #tpu.memory_space<vmem>>, vector<16x1024xf32>
      tpu.vector_store %arg5[%swap3A_61, %swap3A_62], %add3A {strides = array<i32>} : memref<16x1024xf32, #tpu.memory_space<vmem>>, vector<16x1024xf32>,
    } else {
    }
    %eq3A_53 = arith.constant 31 : i32
    %eq3A_54 = arith.cmpi eq, %arg0, %eq3A_53 : i32
    %convert_element_type3A_55 = arith.extui %eq3A_54 : i1 to i32
    %cond3A_56 = arith.constant 0 : i32
    %cond3A_57 = arith.cmpi ne, %convert_element_type3A_55, %cond3A_56 : i32
    scf.if %cond3A_57 {
      %get3A_58 = arith.constant 0 : index
      %get3A_59 = arith.constant 0 : index
      %get3A_60 = vector.load %arg5[%get3A_58, %get3A_59] : memref<16x1024xf32, #tpu.memory_space<vmem>>, vector<16x1024xf32>
      %reduce_sum3A_61 = arith.constant dense<0.000000e+00> : vector<16xf32>
      %reduce_sum3A_62 = vector.multi_reduction <add>, %get3A_60, %reduce_sum3A_61 [1] : vector<16x1024xf32> to vector<16xf32>
      %slice3A = vector.extract_strided_slice %reduce_sum3A_62 {offsets = [0], sizes = [8], strides = [1]} : vector<16xf32> to vector<8xf32>
      %div3A_63 = arith.constant 3.276800e+04 : f32
      %div3A_64 = vector.broadcast %div3A_63 : f32 to vector<8xf32>
      %div3A_65 = arith.divf %slice3A, %div3A_64 : vector<8xf32>
      %slice3A_66 = vector.extract_strided_slice %reduce_sum3A_62 {offsets = [8], sizes = [8], strides = [1]} : vector<16xf32> to vector<8xf32>
      %mul3A = arith.constant 1.22070313E-4 : f32
      %mul3A_67 = vector.broadcast %mul3A : f32 to vector<8xf32>
      %mul3A_68 = arith.mulf %slice3A_66, %mul3A_67 : vector<8xf32>
      %mul3A_69 = arith.mulf %div3A_65, %mul3A_68 : vector<8xf32>
      %reduce_sum3A_70 = vector.shape_cast %mul3A_69 : vector<8xf32> to vector<1x8xf32>
      %reduce_sum3A_71 = arith.constant dense<0.000000e+00> : vector<1xf32>
      %reduce_sum3A_72 = vector.multi_reduction <add>, %reduce_sum3A_70, %reduce_sum3A_71 [1] : vector<1x8xf32> to vector<1xf32>
      %reduce_sum3A_73 = vector.shape_cast %reduce_sum3A_72 : vector<1xf32> to vector<1x1xf32>
      %reduce_sum3A_74 = vector.extract %reduce_sum3A_73[0, 0] : f32 from vector<1x1xf32>
      %mul3A_75 = arith.constant 1.000000e-03 : f32
      %mul3A_76 = arith.mulf %reduce_sum3A_74, %mul3A_75 : f32
      %broadcast_in_dim3A_77 = vector.broadcast %mul3A_76 : f32 to vector<8x128xf32>
      %swap3A_78 = arith.constant 0 : index
      %swap3A_79 = arith.constant 0 : index
      %swap3A_80 = vector.load %arg4[%swap3A_78, %swap3A_79] : memref<8x128xf32, #tpu.memory_space<vmem>>, vector<8x128xf32>
      tpu.vector_store %arg4[%swap3A_78, %swap3A_79], %broadcast_in_dim3A_77 {strides = array<i32>} : memref<8x128xf32, #tpu.memory_space<vmem>>, vector<8x128xf32>,
    } else {
    }
    return
  }
  func.func @transform_0(%arg0: i32) -> (i32, i32) {
    %c0_i32 = arith.constant 0 : i32
    %c0_i32_0 = arith.constant 0 : i32
    return %arg0, %c0_i32 : i32, i32
  }
  func.func @transform_1(%arg0: i32) -> (i32, i32) {
    %c0_i32 = arith.constant 0 : i32
    %c0_i32_0 = arith.constant 0 : i32
    %c0_i32_1 = arith.constant 0 : i32
    return %c0_i32, %c0_i32_0 : i32, i32
  }
  func.func @transform_2(%arg0: i32) -> (i32, i32, i32) {
    %c0_i32 = arith.constant 0 : i32
    %c0_i32_0 = arith.constant 0 : i32
    %c0_i32_1 = arith.constant 0 : i32
    return %arg0, %c0_i32, %c0_i32_0 : i32, i32, i32
  }
  func.func @transform_3(%arg0: i32) -> (i32, i32) {
    %c0_i32 = arith.constant 0 : i32
    %c0_i32_0 = arith.constant 0 : i32
    %c0_i32_1 = arith.constant 0 : i32
    return %c0_i32, %c0_i32_0 : i32, i32
  }
}

</mosaic_0001>

<sc_bundles>
// kernel: kernel.5.cloned.1.call-start
scs
__scs_entry_jumppad:
0x0: {  	(pc) =	sbr.rel $0x88, $3  }
0x1: {  	(tag) =	ssettag $0x0;
	lr =	simm.s32 $0x1  }
0x2: {  	[smem:$0x3F9F] =	sst lr;
	_ =	strace $0xD0000000  }
0x3: {  	_ = 	snop  }
0x4: {  	_ = 	snop  }
0x5: {  	_ = 	snop  }
0x6: {  	_ = 	snop  }
0x7: {  	_ = 	snop  }
__scs_overlays_trampoline_lowered:
0x8: {  	[smem:$0x3FAE] =	sst s0  }
0x9: {  	[smem:$0x3FAF] =	sst s1  }
0xa: {  	[smem:$0x3FB0] =	sst s2  }
0xb: {  	[smem:$0x3FB1] =	sst s3  }
0xc: {  	[smem:$0x3FB2] =	sst s4  }
0xd: {  	[smem:$0x3FB3] =	sst s5  }
0xe: {  	[smem:$0x3FB4] =	sst s6  }
0xf: {  	[smem:$0x3FB5] =	sst s7  }
0x10: {  	[smem:$0x3FB6] =	sst s8  }
0x11: {  	[smem:$0x3FB7] =	sst s9;
	s0 =	simm.s32 @!p0 $0x0  }
0x12: {  	s1 =	sld [smem:$0x3F9D];
	s0 =	simm.s32 @p0 $0x1  }
0x13: {  	[smem:$0x3FB8] =	sst s0;
	s0 =	simm.s32 @!p1 $0x0  }
0x14: {  	s2 =	sld [smem:$0x3F9C];
	s0 =	simm.s32 @p1 $0x1  }
0x15: {  	[smem:$0x3FB9] =	sst s0;
	s0 =	simm.s32 @!p2 $0x0  }
0x16: {  	s3 =	sld [smem:$0x3FDB];
	s0 =	simm.s32 @p2 $0x1  }
0x17: {  	s4 =	simm.s32 $0x1BF5;
	[smem:$0x3FBB] =	sst s0  }
0x18: {  	s0 =	sld [smem:$0x3F9E];
	_ =	swait.ge [sflag:s4], $0x0  }
0x19: {  	s7 =	sld [smem:$0x3F9F]  }
0x1a: {  	s8 =	sadd.s32 $0xFFFFE003, lr  }
0x1b: {  	s9 =	sadd.s32 $0xFFFFFEF7, lr;
	s5 =	simm.s32 $0xFFFFFFFF;
	p2 =	slt.u32 s8, $0xFFFFF086  }
0x1c: {  	p1 =	slt.u32 s9, $0xF7A;
	s5 =	simm.s32 @!p2 $0x0  }
0x1d: {  	s5 =	simm.s32 @p1 $0x1;
	p0 =	seq.s32 s7, s2  }
0x1e: {  	s7 =	smul.u32 @!p0 $0xF7A, s2;
	p2 =	seq.s32 @!p0 s5, $0x0  }
0x1f: {  	s9 =	smul.u32 $0xF7A, s1;
	s8 =	simm.s32 @!p0 $0x1BF5;
	p2 =	por !p2, p0  }
0x20: {  	[sflag:s8] =	ssyncset.s32 @!p0 $0xFFFFF086;
	s6 =	sadd.s32 @!p0 s3, s7;
	s7 =	simm.s32 @!p0 $0x108  }
0x21: {  	s3 =	sadd.s32 s3, s9;
	s6 =	sadd.s32 @!p0 $0x88, s6;
	s7 =	simm.s32 @p2 $0x1082  }
0x22: {  	[simem:s7], [sflag:s8] =	dma.local @!p0 [hbm:s6], $0xF7A  }
0x23: {  	s9 =	sor.u32 $0xD0000000, s2;
	s6 =	simm.s32 $0x108;
	_ =	swait.ge @!p0 [sflag:s8], $0x0  }
0x24: {  	s3 =	sadd.s32 $0x88, s3;
	s6 =	simm.s32 @!p1 $0x1082;
	[sflag:s4] =	ssyncset.s32 $0xFFFFF086  }
0x25: {  	[simem:s6], [sflag:s4] =	dma.local [hbm:s3], $0xF7A  }
0x26: {  	[smem:$0x3F9F] =	sst s1;
	(tag) =	ssettag s2;
	_ =	strace s9  }
0x27: {  	s1 =	sld [smem:$0x3FAF]  }
0x28: {  	s2 =	sld [smem:$0x3FB0]  }
0x29: {  	s4 =	sld [smem:$0x3FB2]  }
0x2a: {  	p0 =	seq.s32 s5, $0x0;
	s5 =	sld [smem:$0x3FB3]  }
0x2b: {  	s6 =	sld [smem:$0x3FB4]  }
0x2c: {  	s7 =	sld [smem:$0x3FB5]  }
0x2d: {  	s3 =	simm.s32 $0x108;
	s8 =	sld [smem:$0x3FB6]  }
0x2e: {  	s3 =	simm.s32 @!p0 $0x1082;
	s9 =	sld [smem:$0x3FB7]  }
0x2f: {  	lr =	sadd.s32 s0, s3;
	s0 =	sld [smem:$0x3FAE]  }
0x30: {  	s3 =	sld [smem:$0x3FB1]  }
0x31: {  	[smem:$0x3FBA] =	sst s10  }
0x32: {  	s10 =	sld [smem:$0x3FB8];
	_ =	sdelay $0x3  }
0x33: {  	p0 =	seq.s32 s10, $0x1;
	s10 =	sld [smem:$0x3FBA];
	_ =	sdelay $0x3  }
0x34: {  	[smem:$0x3FBA] =	sst s10  }
0x35: {  	s10 =	sld [smem:$0x3FB9];
	_ =	sdelay $0x3  }
0x36: {  	p1 =	seq.s32 s10, $0x1;
	s10 =	sld [smem:$0x3FBA];
	_ =	sdelay $0x3  }
0x37: {  	[smem:$0x3FBA] =	sst s10  }
0x38: {  	s10 =	sld [smem:$0x3FBB]  }
0x39: {  	_ = 	snop;
	(pc) =	sbr.ind lr, $3  }
0x3a: {  	_ = 	snop  }
0x3b: {  	_ = 	snop  }
0x3c: {  	p2 =	seq.s32 s10, $0x1;
	s10 =	sld [smem:$0x3FBA]  }
0x3d: {  	_ =	shalt  }
0x3e: {  	_ =	shalt  }
0x3f: {  	_ =	shalt  }
0x40: {  	_ =	shalt  }
0x41: {  	_ =	shalt  }
0x42: {  	_ =	shalt  }
0x43: {  	_ =	shalt  }
0x44: {  	_ =	shalt  }
0x45: {  	_ =	shalt  }
0x46: {  	_ =	shalt  }
0x47: {  	_ =	shalt  }
0x48: {  	_ =	shalt  }
0x49: {  	_ =	shalt  }
0x4a: {  	_ =	shalt  }
0x4b: {  	_ =	shalt  }
0x4c: {  	_ =	shalt  }
0x4d: {  	_ =	shalt  }
0x4e: {  	_ =	shalt  }
0x4f: {  	_ =	shalt  }
0x50: {  	_ =	shalt  }
0x51: {  	_ =	shalt  }
0x52: {  	_ =	shalt  }
0x53: {  	_ =	shalt  }
0x54: {  	_ =	shalt  }
0x55: {  	_ =	shalt  }
0x56: {  	_ =	shalt  }
0x57: {  	_ =	shalt  }
0x58: {  	_ =	shalt  }
0x59: {  	_ =	shalt  }
0x5a: {  	_ =	shalt  }
0x5b: {  	_ =	shalt  }
0x5c: {  	_ =	shalt  }
0x5d: {  	_ =	shalt  }
0x5e: {  	_ =	shalt  }
0x5f: {  	_ =	shalt  }
0x60: {  	_ =	shalt  }
0x61: {  	_ =	shalt  }
0x62: {  	_ =	shalt  }
0x63: {  	_ =	shalt  }
0x64: {  	_ =	shalt  }
0x65: {  	_ =	shalt  }
0x66: {  	_ =	shalt  }
0x67: {  	_ =	shalt  }
0x68: {  	_ =	shalt  }
0x69: {  	_ =	shalt  }
0x6a: {  	_ =	shalt  }
0x6b: {  	_ =	shalt  }
0x6c: {  	_ =	shalt  }
0x6d: {  	_ =	shalt  }
0x6e: {  	_ =	shalt  }
0x6f: {  	_ =	shalt  }
0x70: {  	_ =	shalt  }
0x71: {  	_ =	shalt  }
0x72: {  	_ =	shalt  }
0x73: {  	_ =	shalt  }
0x74: {  	_ =	shalt  }
0x75: {  	_ =	shalt  }
0x76: {  	_ =	shalt  }
0x77: {  	_ =	shalt  }
0x78: {  	_ =	shalt  }
0x79: {  	_ =	shalt  }
0x7a: {  	_ =	shalt  }
0x7b: {  	_ =	shalt  }
0x7c: {  	_ =	shalt  }
0x7d: {  	_ =	shalt  }
0x7e: {  	_ =	shalt  }
0x7f: {  	_ =	shalt  }
0x80: {  	_ =	shalt  }
0x81: {  	_ =	shalt  }
0x82: {  	_ =	shalt  }
0x83: {  	_ =	shalt  }
0x84: {  	_ =	shalt  }
0x85: {  	_ =	shalt  }
0x86: {  	_ =	shalt  }
0x87: {  	_ =	shalt  }
.Lfunc_end0:
.L_simem_size_0:
called_computation_lowered:
.L_overlay_start_0:
0x88: {  	s2 =	sld [smem:$0x3FD9]  }
0x89: {  	s3 =	sld [smem:$0x3FFE];
	_ =	sdelay $0x1  }
0x8a: {  	s1 =	srdreg.scid  }
0x8b: {  	s0 =	sand.u32 $0x1, s1  }
0x8c: {  	s14 =	sshll.u32 s0, $0xA;
	s2 =	sadd.s32 s3, s2  }
0x8d: {  	s2 =	sadd.s32 s2, s14  }
0x8e: {  	[smem:$0x3FC6] =	sst s2  }
0x8f: {  	_ = 	snop  }
0x90: {  	s2 =	sld [smem:$0x3FD0];
	_ =	sdelay $0x2  }
0x91: {  	s15 =	simm.s32 $0xA;
	s4 =	simm.s32 $0x10  }
0x92: {  	[smem:s4], [sflag:s15] =	dma.local [hbm:s2], $0x1  }
0x93: {  	_ =	swait.eq [sflag:s15], $0x1  }
0x94: {  	[sflag:s15] =	ssyncset.done $0x0  }
0x95: {  	s16 =	sld [smem:$0x10];
	[sflag:s15] =	ssyncadd.s32 $0xFFFFFFFF  }
0x96: {  	s17 =	sld [smem:$0x11];
	(tm) =	ssettm $0x1  }
0x97: {  	s18 =	sld [smem:$0x3FFB];
	_ =	sdelay $0x3  }
0x98: {  	_ =	strace s18  }
0x99: {  	s4 =	sld [smem:$0x3FFC];
	_ =	sdelay $0x3  }
0x9a: {  	_ =	strace s4  }
0x9b: {  	s4 =	sld [smem:$0x3FFD];
	_ =	sdelay $0x3  }
0x9c: {  	_ =	strace s4  }
0x9d: {  	_ =	strace $0x8FFFFFFF  }
0x9e: {  	s19 =	sld [smem:$0x3FDB];
	_ =	sdelay $0x1  }
0x9f: {  	s5 =	simm.s32 $_scs_section_size  }
0xa0: {  	s6 =	simm.s32 $_size__tile_overlayer_lowered;
	s7 =	simm.s32 $_tile_overlayer_lowered  }
0xa1: {  	s22 =	simm.s32 $0x1BFF;
	s21 =	sshll.u32 s7, $0x1;
	s4 =	sadd.s32 s5, s19  }
0xa2: {  	s8 =	simm.s32 $0x0;
	s20 =	sshll.u32 s6, $0x1;
	s6 =	sadd.s32 s21, s4  }
0xa3: {  	[timem:s8], [sflag:s22] =	dma.local [hbm:s6], s20  }
0xa4: {  	_ =	swait.ge [sflag:s22], s20  }
0xa5: {  	s5 =	ssub.s32 $0x0, s20;
	[sflag:s22] =	ssyncset.done $0x0  }
0xa6: {  	[sflag:s22] =	ssyncadd.s32 s5;
	_ =	sdelay $0x1  }
0xa7: {  	s23 =	simm.s32 $0x1B8B  }
0xa8: {  	_ =	swait.ge [sflag:s23], $0x1  }
0xa9: {  	[sflag:s23] =	ssyncset.done $0x0  }
0xaa: {  	s25 =	simm.s32 $0x1B8E;
	s24 =	sld [smem:$0x3FFE];
	[sflag:s23] =	ssyncadd.s32 $0xFFFFFFFF  }
0xab: {  	s26 =	simm.s32 $execute0_lowered;
	[smem:$0x3FD2] =	sst s25  }
0xac: {  	s6 =	sshll.u32 s26, $0x1;
	_ =	strace $0x80000046;
	[dreg:$0x1] =	wrdreg $0xFFFFFFFF  }
0xad: {  	s28 =	simm.s32 $_size_execute0_lowered;
	s4 =	sadd.s32 s4, s6;
	[dreg:$0x0] =	wrdreg $0x0  }
0xae: {  	s6 =	sshll.u32 s28, $0x1;
	[dreg:$0x2] =	wrdreg s4  }
0xaf: {  	[dreg:$0x3] =	wrdreg s6  }
0xb0: {  	[dreg:$0x4] =	wrdreg $0xC0  }
0xb1: {  	_ =	task [dreg:s8], $0x5FFFF  }
0xb2: {  	[dreg:$0x1] =	wrdreg $0xFFFFFFFF  }
0xb3: {  	[dreg:$0x0] =	wrdreg $0x60  }
0xb4: {  	[dreg:$0x2] =	wrdreg s24  }
0xb5: {  	[dreg:$0x3] =	wrdreg s16  }
0xb6: {  	[dreg:$0x4] =	wrdreg s17  }
0xb7: {  	[dreg:$0x5] =	wrdreg $0x9  }
0xb8: {  	_ =	task.clear_ibuf [dreg:s8], $0x6FFFF;
	_ =	strace $0x90000046  }
0xb9: {  	s29 =	simm.s32 $0x9;
	_ =	strace $0x80000048  }
0xba: {  	_ =	swait.ge [sflag:s29], $0x1  }
0xbb: {  	[sflag:s29] =	ssyncadd.s32 $0xFFFFFFFF  }
0xbc: {  	_ =	strace $0x90000048  }
0xbd: {  	_ =	sfence  }
0xbe: {  	s30 =	sld [smem:$0x0];
	_ =	sdelay $0x2  }
0xbf: {  	s31 =	sshll.u32 s1, $0xD;
	s1 =	sshrl.u32 s1, $0x2  }
0xc0: {  	s3 =	sand.u32 $0x4000, s31;
	s1 =	sadd.s32 s1, s30  }
0xc1: {  	s0 =	sor.u32 s3, s0;
	s1 =	sshll.u32 s1, $0x11  }
0xc2: {  	s0 =	sor.u32 s1, s0  }
0xc3: {  	s0 =	sadd.s32 $0x8F2B, s0  }
0xc4: {  	[sflag:s0] =	ssyncadd.remote.s32 $0x1  }
0xc5: {  	_ =	sfence.sel $0xFFFF  }
0xc6: {  	[dreg:$0x0] =	wrdreg $0xFFFFFFFF;
	(pc) =	sbr.abs _section_cstart, $3  }
0xc7: {  	[dreg:$0x1] =	wrdreg $0xFFFFFFFF  }
0xc8: {  	_ =	task.clear_ibuf [dreg:s8], $0x2FFFF;
	_ =	strace $0x9FFFFFFF  }
0xc9: {  	(tm) =	ssettm $0x7FFFFFFF  }
tec
execute0_lowered:
.L_overlay_start_1:
0x0: {  	(tag) =	ssettag $0x1  }
0x1: {  	s3 =	rddreg [dreg:$0x0]  }
0x2: {  	s4 =	rddreg [dreg:$0x1]  }
0x3: {  	s5 =	rddreg [dreg:$0x2]  }
0x4: {  	s0 =	rddreg [dreg:$0x3];
	s6 =	srdreg.scid  }
0x5: {  	s1 =	stileid.u32;
	s2 =	simm.s32 $0x0;
	s9 =	simm.s32 $0x2800  }
0x6: {  	s10 =	simm.s32 $0x0;
	s6 =	sand.u32 $0x1, s6;
	s7 =	sshll.u32 s1, $0x1  }
0x7: {  	[smem:$0x7FF] =	sst s2;
	s7 =	sor.u32 s6, s7;
	s6 =	ssub.s32 $0x2, s6  }
0x8: {  	_ =	strace $0x80000047;
	s8 =	sshll.u32 s7, $0xA;
	s31 =	sshrl.u32 s6, $0x1  }
0x9: {  	s7 =	sshll.u32 s7, $0x8;
	s3 =	sadd.s32 s8, s3;
	s6 =	ssub.s32 s6, s31  }
0xa: {  	s4 =	sadd.s32 s4, s7;
	s5 =	sadd.s32 s5, s7;
	s7 =	simm.s32 $0x1  }
0xb: {  	v0 =	vimm.s32 $0x0;
	s8 =	simm.s32 $0x2000;
	s3 =	sadd.s32 $0xE00, s3;
	s6 =	smax.u32 s6, $0x1  }
.LBB2_1:
0xc: {  	[tilespmem:s2], [sflag:$0x1] =	stream.linear.gather [hbm4b:s3+s2], $0x2000, $0x38;
	[tilespmem:$0x3000] =	vst v63  }
0xd: {  	_ =	swait.ge [sflag:s7], $0x2000  }
0xe: {  	s11 =	simm.s32 $0xFFFFFFF8;
	s12 =	simm.s32 $0x200;
	[sflag:s7] =	ssyncset.done $0x0  }
0xf: {  	s13 =	simm.s32 $0x2080;
	s14 =	simm.s32 $0x2880;
	[sflag:s7] =	ssyncadd.s32 $0xFFFFE000  }
.LBB2_2:
0x10: {  	v2 =	vld [tilespmem:s12+$0xFFFFFE00]  }
0x11: {  	v3 =	vld [tilespmem:s12+$0xFFFFFE80];
	_ =	sdelay $0x1  }
0x12: {  	v4 =	vld [tilespmem:s12+$0xFFFFFF00];
	_ =	sdelay $0x1  }
0x13: {  	v5 =	vld [tilespmem:s12+$0xFFFFFF80]  }
0x14: {  	vm0 =	vgt.f32 v3, v2  }
0x15: {  	v6 =	vld [tilespmem:s12+$0x0];
	v1 =	vsel vm0, v3, v2  }
0x16: {  	vm1 =	vgt.f32 v4, v1  }
0x17: {  	v7 =	vld [tilespmem:s12+$0x80];
	v1 =	vsel vm1, v4, v1  }
0x18: {  	vm2 =	vgt.f32 v5, v1  }
0x19: {  	v8 =	vld [tilespmem:s12+$0x100];
	v1 =	vsel vm2, v5, v1  }
0x1a: {  	vm3 =	vgt.f32 v6, v1  }
0x1b: {  	v9 =	vld [tilespmem:s12+$0x180];
	v1 =	vsel vm3, v6, v1  }
0x1c: {  	v10 =	vsel vm0, $0x1, v0;
	vm15 =	vgt.f32 v7, v1  }
0x1d: {  	v10 =	vsel vm1, $0x2, v10;
	v1 =	vsel vm15, v7, v1  }
0x1e: {  	v10 =	vsel vm2, $0x3, v10;
	vm4 =	vgt.f32 v8, v1  }
0x1f: {  	v10 =	vsel vm3, $0x4, v10;
	v11 =	vsel vm4, v8, v1  }
0x20: {  	v45 =	vld [tilespmem:s12+$0xFFFFFE10];
	v1 =	vsel vm15, $0x5, v10;
	vm5 =	vgt.f32 v9, v11  }
0x21: {  	v12 =	vld [tilespmem:s12+$0xFFFFFE90];
	v1 =	vsel vm4, $0x6, v1;
	vm1 =	vmneg vm5  }
0x22: {  	v1 =	vnsel vm1, $0x7, v1  }
0x23: {  	vm6 =	vgt.f32 v2, $-1.000000000e+00;
	vm7 =	vne.s32 v1, $0x0  }
0x24: {  	v13 =	vld [tilespmem:s12+$0xFFFFFF10];
	vm0 =	vmand vm6, vm7  }
0x25: {  	v2 =	vnsel vm0, $0xBF800000, v2  }
0x26: {  	v14 =	vld [tilespmem:s12+$0xFFFFFF90];
	vm9 =	vgt.f32 v12, v45;
	vm8 =	vne.s32 v1, $0x1;
	vm0 =	vgt.f32 v3, v2  }
0x27: {  	v49 =	vsel vm9, $0x1, v0;
	vm0 =	vmand vm8, vm0  }
0x28: {  	v15 =	vld [tilespmem:s12+$0x10];
	vm4 =	vne.s32 v1, $0x2;
	v3 =	vsel vm0, v3, v2;
	v2 =	vsel vm9, v12, v45  }
0x29: {  	vm15 =	vne.s32 v1, $0x4;
	vm10 =	vgt.f32 v4, v3;
	vm5 =	vgt.f32 v13, v2  }
0x2a: {  	v16 =	vld [tilespmem:s12+$0x90];
	vm7 =	vne.s32 v1, $0x3;
	vm3 =	vmand vm4, vm10;
	v17 =	vsel vm5, v13, v2  }
0x2b: {  	v48 =	vsel vm0, $0x1, v0;
	v3 =	vsel vm3, v4, v3;
	vm11 =	vgt.f32 v14, v17  }
0x2c: {  	v46 =	vld [tilespmem:s12+$0x110];
	v2 =	vsel vm1, v11, v9;
	vm6 =	vgt.f32 v5, v3;
	v47 =	vsel vm11, v14, v17  }
0x2d: {  	v17 =	vsel vm3, $0x2, v48;
	vm6 =	vmand vm7, vm6;
	vm12 =	vgt.f32 v15, v47  }
0x2e: {  	v3 =	vsel vm6, v5, v3;
	v4 =	vsel vm12, v15, v47;
	v5 =	vsel vm5, $0x2, v49  }
0x2f: {  	v18 =	vld [tilespmem:s12+$0x190];
	v50 =	vsel vm6, $0x3, v17;
	vm13 =	vgt.f32 v6, v3;
	vm14 =	vgt.f32 v16, v4  }
0x30: {  	v51 =	vld [tilespmem:s12+$0xFFFFFE20];
	v5 =	vsel vm11, $0x3, v5;
	v4 =	vsel vm14, v16, v4;
	vm3 =	vmand vm15, vm13  }
0x31: {  	v19 =	vld [tilespmem:s12+$0xFFFFFEA0];
	vm13 =	vgt.f32 v45, $-1.000000000e+00;
	vm9 =	vgt.f32 v46, v4;
	v6 =	vsel vm3, v6, v3  }
0x32: {  	v3 =	vsel vm12, $0x4, v5;
	vm12 =	vne.s32 v1, $0x5;
	v5 =	vsel vm3, $0x4, v50  }
0x33: {  	v4 =	vsel vm9, v46, v4;
	vm10 =	vgt.f32 v7, v6;
	v3 =	vsel vm14, $0x5, v3  }
0x34: {  	vm11 =	vgt.f32 v18, v4;
	v3 =	vsel vm9, $0x6, v3;
	vm2 =	vmand vm12, vm10  }
0x35: {  	v20 =	vld [tilespmem:s12+$0xFFFFFF20];
	vm9 =	vne.s32 v1, $0x6;
	vm0 =	vmneg vm11;
	v6 =	vsel vm2, v7, v6  }
0x36: {  	v5 =	vsel vm2, $0x5, v5;
	vm2 =	vgt.f32 v19, v51;
	v3 =	vnsel vm0, $0x7, v3  }
0x37: {  	vm15 =	vgt.f32 v8, v6;
	v55 =	vsel vm2, v19, v51;
	vm14 =	vne.s32 v3, $0x0  }
0x38: {  	v4 =	vsel vm0, v4, v18;
	v58 =	vsel vm2, $0x1, v0;
	vm4 =	vmand vm13, vm14  }
0x39: {  	vm10 =	vmand vm9, vm15;
	vm11 =	vne.s32 v3, $0x1;
	v52 =	vnsel vm4, $0xBF800000, v45  }
0x3a: {  	v53 =	vld [tilespmem:s12+$0xFFFFFFA0];
	vm6 =	vgt.f32 v20, v55;
	v6 =	vsel vm10, v8, v6;
	vm4 =	vgt.f32 v12, v52  }
0x3b: {  	v5 =	vsel vm10, $0x6, v5;
	vm14 =	vne.s32 v3, $0x2;
	vm4 =	vmand vm11, vm4  }
0x3c: {  	vm10 =	vne.s32 v3, $0x3;
	vm12 =	vgt.f32 v9, v6;
	v7 =	vsel vm4, v12, v52  }
0x3d: {  	v54 =	vld [tilespmem:s12+$0x20];
	v8 =	vsel vm6, v20, v55;
	vm1 =	vmand vm1, vm12;
	vm13 =	vgt.f32 v13, v7  }
0x3e: {  	v6 =	vsel vm1, v9, v6;
	v5 =	vsel vm1, $0x7, v5;
	vm15 =	vmand vm14, vm13  }
0x3f: {  	v21 =	vld [tilespmem:s12+$0xA0];
	vm11 =	vgt.f32 v53, v8;
	v10 =	vadd.f32 v6, v2;
	v7 =	vsel vm15, v13, v7  }
0x40: {  	v56 =	vsel vm4, $0x1, v0;
	v8 =	vsel vm11, v53, v8;
	vm9 =	vgt.f32 v14, v7  }
0x41: {  	vm13 =	vne.s32 v3, $0x4;
	v10 =	vadd.f32 $9.999999680e-21, v10;
	vm3 =	vmand vm10, vm9  }
0x42: {  	v57 =	vld [tilespmem:s12+$0x120];
	vm14 =	vgt.f32 v54, v8;
	v9 =	vsel vm15, $0x2, v56;
	v7 =	vsel vm3, v14, v7  }
0x43: {  	v8 =	vsel vm14, v54, v8;
	(erf) = vrcp.f32 v10;
	vm12 =	vgt.f32 v15, v7  }
0x44: {  	v22 =	vld [tilespmem:s12+$0x1A0];
	vm9 =	vgt.f32 v21, v8;
	vm10 =	vne.s32 v3, $0x5;
	vm5 =	vmand vm13, vm12  }
0x45: {  	v9 =	vsel vm3, $0x3, v9;
	v8 =	vsel vm9, v21, v8;
	v7 =	vsel vm5, v15, v7  }
0x46: {  	v23 =	vld [tilespmem:s12+$0xFFFFFE30];
	v15 =	vsel vm6, $0x2, v58;
	v9 =	vsel vm5, $0x4, v9;
	vm15 =	vgt.f32 v16, v7  }
0x47: {  	v24 =	vld [tilespmem:s12+$0xFFFFFEB0];
	v15 =	vsel vm11, $0x3, v15;
	vm11 =	vgt.f32 v57, v8;
	vm3 =	vmand vm10, vm15  }
0x48: {  	v59 =	vsel vm14, $0x4, v15;
	v8 =	vsel vm11, v57, v8;
	vm14 =	vne.s32 v3, $0x6  }
0x49: {  	v16 =	vsel vm3, v16, v7;
	v7 =	vsel vm9, $0x5, v59;
	vm13 =	vgt.f32 v22, v8  }
0x4a: {  	vm15 =	vgt.f32 v51, $-1.000000000e+00;
	v7 =	vsel vm11, $0x6, v7;
	vm1 =	vmneg vm13  }
0x4b: {  	v25 =	vld [tilespmem:s12+$0xFFFFFF30];
	v9 =	vsel vm3, $0x5, v9;
	vm12 =	vgt.f32 v46, v16;
	v7 =	vnsel vm1, $0x7, v7  }
0x4c: {  	vm2 =	vmand vm14, vm12;
	vm12 =	vgt.f32 v24, v23;
	vm8 =	vne.s32 v7, $0x0  }
0x4d: {  	v62 =	vld [tilespmem:s12+$0xFFFFFFB0];
	v11 =	vsel vm2, v46, v16;
	v60 =	vsel vm2, $0x6, v9;
	vm4 =	vmand vm15, vm8  }
0x4e: {  	vm11 =	vne.s32 v7, $0x1;
	vm9 =	vgt.f32 v18, v11;
	v61 =	vnsel vm4, $0xBF800000, v51  }
0x4f: {  	v63 =	vld [tilespmem:s12+$0x30];
	v26 =	vsel vm12, v24, v23;
	vm0 =	vmand vm0, vm9;
	vm10 =	vgt.f32 v19, v61  }
0x50: {  	v9 =	vsel vm0, v18, v11;
	v11 =	vsel vm0, $0x7, v60;
	vm0 =	vgt.f32 v25, v26  }
0x51: {  	v36 =	vld [tilespmem:s12+$0xB0];
	v8 =	vsel vm1, v8, v22;
	vm2 =	vmand vm11, vm10;
	v37 =	vsel vm0, v25, v26  }
0x52: {  	vm14 =	vne.s32 v7, $0x2;
	v35 =	vsel vm2, v19, v61;
	vm15 =	vgt.f32 v62, v37  }
0x53: {  	v39 =	vsel vm12, $0x1, v0;
	vm13 =	vgt.f32 v20, v35;
	v16 =	vsel vm15, v62, v37  }
0x54: {  	v27 =	vld [tilespmem:s12+$0x130];
	vm10 =	vne.s32 v7, $0x3;
	vm3 =	vmand vm14, vm13;
	vm11 =	vgt.f32 v63, v16  }
0x55: {  	v38 =	vsel vm2, $0x1, v0;
	v20 =	vsel vm3, v20, v35;
	v16 =	vsel vm11, v63, v16  }
0x56: {  	v15 =	vld [tilespmem:s12+$0x1B0];
	v26 =	vsel vm3, $0x2, v38;
	vm9 =	vgt.f32 v53, v20;
	vm12 =	vgt.f32 v36, v16  }
0x57: {  	v43 =	vld [tilespmem:s12+$0xFFFFFE40];
	vm2 =	vmand vm10, vm9;
	v16 =	vsel vm12, v36, v16;
	vm9 =	vne.s32 v7, $0x5  }
0x58: {  	v45 =	vld [tilespmem:s12+$0xFFFFFEC0];
	vm10 =	vgt.f32 v23, $-1.000000000e+00;
	v12 =	vsel vm2, v53, v20;
	v26 =	vsel vm2, $0x3, v26  }
0x59: {  	v20 =	vsel vm0, $0x2, v39;
	vm14 =	vgt.f32 v27, v16;
	vm13 =	vgt.f32 v54, v12  }
0x5a: {  	v20 =	vsel vm15, $0x3, v20;
	vm15 =	vne.s32 v7, $0x4;
	v28 =	vsel vm14, v27, v16  }
0x5b: {  	v20 =	vsel vm11, $0x4, v20;
	vm4 =	vmand vm15, vm13;
	vm7 =	vgt.f32 v15, v28  }
0x5c: {  	vm13 =	vne.s32 v7, $0x6;
	v40 =	vsel vm12, $0x5, v20;
	v13 =	vsel vm4, v54, v12  }
0x5d: {  	vm0 =	vmneg vm7;
	v42 =	vsel vm4, $0x4, v26;
	vm4 =	vgt.f32 v45, v43  }
0x5e: {  	v41 =	vsel vm14, $0x6, v40;
	vm8 =	vgt.f32 v21, v13;
	v48 =	vsel vm4, v45, v43  }
0x5f: {  	v54 =	vsel vm4, $0x1, v0;
	v12 =	vnsel vm0, $0x7, v41;
	vm2 =	vmand vm9, vm8  }
0x60: {  	v29 =	vld [tilespmem:s12+$0xFFFFFF40];
	vm11 =	vne.s32 v12, $0x0;
	v13 =	vsel vm2, v21, v13;
	vm8 =	vne.s32 v12, $0x1  }
0x61: {  	v16 =	vsel vm2, $0x5, v42;
	vm3 =	vmand vm10, vm11;
	vm12 =	vgt.f32 v57, v13  }
0x62: {  	v42 =	vimm.s32 $0x0;
	v44 =	vnsel vm3, $0xBF800000, v23;
	vm14 =	vmand vm13, vm12  }
0x63: {  	vm12 =	vne.s32 v12, $0x2;
	vm15 =	vgt.f32 v24, v44;
	v13 =	vsel vm14, v57, v13  }
0x64: {  	v46 =	vld [tilespmem:s12+$0xFFFFFFC0];
	v16 =	vsel vm14, $0x6, v16;
	vm14 =	vne.s32 v12, $0x3;
	v57 =	vimm.s32 $0x0  }
0x65: {  	vm9 =	vmand vm8, vm15;
	vm10 =	vgt.f32 v22, v13;
	vm15 =	vgt.f32 v29, v48  }
0x66: {  	v47 =	vld [tilespmem:s12+$0x40];
	v21 =	vsel vm9, v24, v44;
	vm1 =	vmand vm1, vm10;
	v50 =	vsel vm9, $0x1, v0  }
0x67: {  	vm10 =	vne.s32 v12, $0x4;
	v44 =	vimm.s32 $0x0;
	vm11 =	vgt.f32 v25, v21  }
0x68: {  	v49 =	vld [tilespmem:s12+$0xC0];
	v14 =	vsel vm1, v22, v13;
	v22 =	vsel vm15, v29, v48;
	vm3 =	vmand vm12, vm11  }
0x69: {  	v16 =	vsel vm1, $0x7, v16;
	vm2 =	vgt.f32 v46, v22;
	v21 =	vsel vm3, v25, v21  }
0x6a: {  	v32 =	vld [tilespmem:s12+$0x140];
	v13 =	vsel vm0, v28, v15;
	v22 =	vsel vm2, v46, v22;
	vm13 =	vgt.f32 v62, v21  }
0x6b: {  	v51 =	vsel vm3, $0x2, v50;
	vm12 =	vgt.f32 v47, v22;
	vm1 =	vmand vm14, vm13  }
0x6c: {  	v52 =	vsel vm12, v47, v22;
	v17 =	vsel vm1, v62, v21;
	v23 =	vsel vm1, $0x3, v51  }
0x6d: {  	v21 =	vld [tilespmem:s12+$0x1C0];
	vm13 =	vgt.f32 v49, v52;
	v51 =	vimm.s32 $0x0;
	vm9 =	vgt.f32 v63, v17  }
0x6e: {  	v31 =	vld [tilespmem:s12+$0xFFFFFE50];
	v18 =	vsel vm13, v49, v52;
	v52 =	vimm.s32 $0x0;
	vm11 =	vmand vm10, vm9  }
0x6f: {  	v33 =	vld [tilespmem:s12+$0xFFFFFED0];
	vm8 =	vgt.f32 v32, v18;
	v17 =	vsel vm11, v63, v17;
	v53 =	vsel vm11, $0x4, v23  }
0x70: {  	v23 =	vsel vm15, $0x2, v54;
	vm15 =	vne.s32 v12, $0x5;
	v18 =	vsel vm8, v32, v18  }
0x71: {  	vm11 =	vne.s32 v12, $0x6;
	vm14 =	vgt.f32 v36, v17;
	v23 =	vsel vm2, $0x3, v23  }
0x72: {  	v34 =	vld [tilespmem:s12+$0xFFFFFF50];
	vm3 =	vmand vm15, vm14;
	v23 =	vsel vm12, $0x4, v23;
	vm9 =	vgt.f32 v21, v18  }
0x73: {  	vm12 =	vgt.f32 v43, $-1.000000000e+00;
	v19 =	vsel vm3, v36, v17;
	v55 =	vsel vm13, $0x5, v23  }
0x74: {  	v22 =	vsel vm3, $0x5, v53;
	vm7 =	vmneg vm9;
	vm3 =	vgt.f32 v33, v31  }
0x75: {  	v35 =	vld [tilespmem:s12+$0xFFFFFFD0];
	v17 =	vsel vm8, $0x6, v55;
	vm10 =	vgt.f32 v27, v19;
	v56 =	vsel vm3, v33, v31  }
0x76: {  	v37 =	vld [tilespmem:s12+$0xD0];
	v18 =	vsel vm7, v18, v21;
	v60 =	vsel vm3, $0x1, v0;
	v17 =	vnsel vm7, $0x7, v17  }
0x77: {  	v36 =	vld [tilespmem:s12+$0x50];
	vm1 =	vmand vm11, vm10;
	vm8 =	vgt.f32 v34, v56;
	vm13 =	vne.s32 v17, $0x0  }
0x78: {  	v39 =	vld [tilespmem:s12+$0xFFFFFEE0];
	v23 =	vsel vm1, v27, v19;
	v19 =	vsel vm1, $0x6, v22;
	vm15 =	vne.s32 v17, $0x1  }
0x79: {  	v63 =	vld [tilespmem:s12+$0xFFFFFE60];
	v22 =	vsel vm8, v34, v56;
	vm6 =	vne.s32 v17, $0x3;
	vm4 =	vne.s32 v17, $0x5  }
0x7a: {  	v53 =	vld [tilespmem:s12+$0xFFFFFE70];
	vm2 =	vmand vm12, vm13;
	vm9 =	vgt.f32 v15, v23;
	vm10 =	vgt.f32 v35, v22  }
0x7b: {  	v55 =	vld [tilespmem:s12+$0xFFFFFEF0];
	v20 =	vnsel vm2, $0xBF800000, v43;
	vm0 =	vmand vm0, vm9;
	v58 =	vsel vm10, v35, v22  }
0x7c: {  	vm14 =	vgt.f32 v45, v20;
	v27 =	vsel vm0, $0xFFFFFFFF, v57;
	vm13 =	vgt.f32 v36, v58  }
0x7d: {  	v40 =	vld [tilespmem:s12+$0xFFFFFF60];
	vm12 =	vne.s32 v17, $0x2;
	vm1 =	vmand vm15, vm14;
	[tilespmem:$0x1FF60] =	vst v27;
	v27 =	vsel vm13, v36, v58  }
0x7e: {  	v26 =	vld [tilespmem:s12+$0x150];
	v20 =	vsel vm1, v45, v20;
	v30 =	vsel vm1, $0x1, v0;
	vm14 =	vgt.f32 v37, v27  }
0x7f: {  	vm1 =	vgt.f32 v39, v63;
	vm11 =	vgt.f32 v29, v20;
	v27 =	vsel vm14, v37, v27  }
0x80: {  	v50 =	vsel vm1, v39, v63;
	v56 =	vsel vm1, $0x1, v0;
	vm1 =	vgt.f32 v55, v53  }
0x81: {  	v22 =	vld [tilespmem:s12+$0x1D0];
	vm2 =	vmand vm12, vm11;
	vm11 =	vne.s32 v17, $0x4;
	vm12 =	vgt.f32 v31, $-1.000000000e+00  }
0x82: {  	vm3 =	vgt.f32 v40, v50;
	v58 =	vsel vm1, v55, v53;
	v20 =	vsel vm2, v29, v20  }
0x83: {  	v59 =	vsel vm2, $0x2, v30;
	v30 =	vsel vm8, $0x2, v60;
	vm8 =	vgt.f32 v26, v27  }
0x84: {  	v60 =	vimm.s32 $0x0;
	vm15 =	vgt.f32 v46, v20;
	v30 =	vsel vm10, $0x3, v30  }
0x85: {  	vm2 =	vmand vm6, vm15;
	v38 =	vsel vm13, $0x4, v30;
	v30 =	vsel vm8, v26, v27  }
0x86: {  	v24 =	vsel vm2, v46, v20;
	v61 =	vsel vm14, $0x5, v38;
	vm9 =	vgt.f32 v22, v30  }
0x87: {  	v62 =	vsel vm2, $0x3, v59;
	v20 =	vsel vm8, $0x6, v61;
	vm8 =	vmneg vm9  }
0x88: {  	v59 =	vimm.s32 $0x0;
	vm10 =	vgt.f32 v47, v24;
	v20 =	vnsel vm8, $0x7, v20  }
0x89: {  	vm0 =	vmand vm11, vm10;
	v30 =	vsel vm8, v30, v22;
	vm13 =	vne.s32 v20, $0x0  }
0x8a: {  	v24 =	vsel vm0, v47, v24;
	v47 =	vsel vm0, $0x4, v62;
	vm9 =	vne.s32 v20, $0x1  }
0x8b: {  	vm11 =	vne.s32 v20, $0x2;
	v62 =	vsel vm1, $0x1, v0;
	vm14 =	vmand vm12, vm13  }
0x8c: {  	vm15 =	vgt.f32 v49, v24;
	vm13 =	vne.s32 v17, $0x6;
	v48 =	vnsel vm14, $0xBF800000, v31  }
0x8d: {  	v41 =	vld [tilespmem:s12+$0xFFFFFFE0];
	vm5 =	vmand vm4, vm15;
	vm15 =	vne.s32 v20, $0x3;
	vm6 =	vgt.f32 v33, v48  }
0x8e: {  	v24 =	vsel vm5, v49, v24;
	v49 =	vimm.s32 $0x0;
	vm2 =	vmand vm9, vm6  }
0x8f: {  	v25 =	vsel vm5, $0x5, v47;
	vm12 =	vgt.f32 v32, v24;
	v27 =	vsel vm2, v33, v48;
	v33 =	vld [tilespmem:s12+$0x60]  }
0x90: {  	v28 =	vsel vm2, $0xFFFFFFFF, v49;
	vm9 =	vmand vm13, vm12;
	vm10 =	vgt.f32 v34, v27  }
0x91: {  	v31 =	vld [tilespmem:s12+$0xE0];
	v49 =	vimm.s32 $0x0;
	[tilespmem:$0x1FF80] =	vst v28;
	v28 =	vsel vm3, v40, v50;
	vm2 =	vmand vm11, vm10  }
0x92: {  	v29 =	vsel vm2, $0xFFFFFFFF, v51;
	v34 =	vsel vm2, v34, v27;
	vm2 =	vgt.f32 v41, v28  }
0x93: {  	v42 =	vsel vm9, $0xFFFFFFFF, v42;
	[tilespmem:$0x1FF90] =	vst v29;
	v29 =	vld [tilespmem:s12+$0x160];
	vm14 =	vgt.f32 v35, v34;
	v28 =	vsel vm2, v41, v28  }
0x94: {  	v43 =	vsel vm9, v32, v24;
	vm12 =	vmand vm15, vm14;
	vm13 =	vgt.f32 v33, v28  }
0x95: {  	v32 =	vsel vm3, $0x2, v56;
	v27 =	vld [tilespmem:s12+$0x1E0];
	v54 =	vsel vm12, v35, v34;
	v28 =	vsel vm13, v33, v28  }
0x96: {  	vm15 =	vne.s32 v20, $0x4;
	vm4 =	vgt.f32 v36, v54;
	vm14 =	vgt.f32 v31, v28  }
0x97: {  	v50 =	vimm.s32 $0x0;
	v28 =	vsel vm14, v31, v28;
	vm6 =	vmand vm15, vm4  }
0x98: {  	[tilespmem:$0x1FF70] =	vst v42;
	v32 =	vsel vm2, $0x3, v32;
	v35 =	vld [tilespmem:s12+$0xFFFFFF70];
	v44 =	vsel vm6, $0xFFFFFFFF, v44;
	vm9 =	vgt.f32 v29, v28  }
0x99: {  	v42 =	vsel vm12, $0xFFFFFFFF, v52;
	v57 =	vsel vm13, $0x4, v32;
	[tilespmem:$0x1FFB0] =	vst v44;
	v44 =	vsel vm9, v29, v28  }
0x9a: {  	v45 =	vld [tilespmem:s12+$0xFFFFFFF0];
	vm12 =	vgt.f32 v63, $-1.000000000e+00;
	v24 =	vsel vm14, $0x5, v57;
	vm10 =	vgt.f32 v27, v44  }
0x9b: {  	v52 =	vadd.f32 v9, v4;
	v24 =	vsel vm9, $0x6, v24;
	vm13 =	vmneg vm10  }
0x9c: {  	v46 =	vld [tilespmem:s12+$0x70];
	vm15 =	vne.s32 v20, $0x5;
	v36 =	vsel vm6, v36, v54;
	v24 =	vnsel vm13, $0x7, v24  }
0x9d: {  	v54 =	vadd.f32 v14, v8;
	vm2 =	vgt.f32 v35, v58;
	vm14 =	vne.s32 v24, $0x0  }
0x9e: {  	v47 =	vld [tilespmem:s12+$0xF0];
	vm11 =	vgt.f32 v37, v36;
	v28 =	vsel vm2, v35, v58;
	vm3 =	vmand vm12, vm14  }
0x9f: {  	vm9 =	vmand vm15, vm11;
	vm4 =	vgt.f32 v45, v28;
	v38 =	vnsel vm3, $0xBF800000, v63  }
0xa0: {  	v28 =	vsel vm4, v45, v28;
	vm11 =	vne.s32 v24, $0x1;
	vm10 =	vgt.f32 v39, v38  }
0xa1: {  	v48 =	vld [tilespmem:s12+$0x170];
	v32 =	vsel vm9, $0xFFFFFFFF, v59;
	vm12 =	vgt.f32 v46, v28;
	vm0 =	vmand vm11, vm10  }
0xa2: {  	vm15 =	vgt.f32 v21, v43;
	[tilespmem:$0x1FFC0] =	vst v32;
	v28 =	vsel vm12, v46, v28;
	v32 =	vsel vm0, $0xFFFFFFFF, v60  }
0xa3: {  	v36 =	vsel vm9, v37, v36;
	vm9 =	vne.s32 v20, $0x6;
	vm14 =	vgt.f32 v47, v28;
	[tilespmem:$0x1FFD0] =	vst v32;
	v32 =	vld [tilespmem:s12+$0x1F0]  }
0xa4: {  	v58 =	vadd.f32 $9.999999680e-21, v54;
	v28 =	vsel vm14, v47, v28;
	vm11 =	vmand vm7, vm15  }
0xa5: {  	vm7 =	vgt.f32 v26, v36;
	v61 =	vsel vm0, v39, v38;
	v38 =	vsel vm2, $0x2, v62  }
0xa6: {  	vm6 =	vgt.f32 v48, v28;
	vm2 =	vmand vm9, vm7;
	v38 =	vsel vm4, $0x3, v38  }
0xa7: {  	vm9 =	vne.s32 v24, $0x3;
	v39 =	vsel vm6, v48, v28;
	v38 =	vsel vm12, $0x4, v38  }
0xa8: {  	vm12 =	vgt.f32 v40, v61;
	v63 =	vsel vm14, $0x5, v38;
	vm10 =	vgt.f32 v32, v39  }
0xa9: {  	vm14 =	vne.s32 v24, $0x2;
	v28 =	vsel vm6, $0x6, v63;
	vm5 =	vmneg vm10  }
0xaa: {  	vm4 =	vgt.f32 v53, $-1.000000000e+00;
	vm15 =	vmand vm14, vm12;
	v28 =	vnsel vm5, $0x7, v28  }
0xab: {  	v38 =	vsel vm2, $0xFFFFFFFF, v49;
	v37 =	vsel vm15, v40, v61;
	vm6 =	vne.s32 v28, $0x0  }
0xac: {  	[tilespmem:$0x1FFE0] =	vst v38;
	v38 =	vsel vm15, $0xFFFFFFFF, v50;
	vm7 =	vgt.f32 v41, v37;
	vm0 =	vmand vm4, vm6  }
0xad: {  	vm14 =	vmand vm9, vm7;
	vm9 =	vne.s32 v24, $0x5;
	v51 =	vnsel vm0, $0xBF800000, v53  }
0xae: {  	v37 =	vsel vm14, v41, v37;
	vm12 =	vne.s32 v28, $0x1;
	vm10 =	vgt.f32 v55, v51  }
0xaf: {  	vm15 =	vgt.f32 v33, v37;
	v53 =	vadd.f32 $9.999999680e-21, v52;
	vm12 =	vmand vm12, vm10  }
0xb0: {  	v59 =	vld [tilespmem:$0x1FF60];
	vm7 =	vne.s32 v28, $0x2;
	vm4 =	vne.s32 v24, $0x4;
	v34 =	vsel vm12, v55, v51  }
0xb1: {  	vm10 =	vmand vm4, vm15;
	(erf) = vrcp.f32 v53;
	vm6 =	vgt.f32 v35, v34  }
0xb2: {  	v55 =	vsel vm2, v26, v36;
	v56 =	vsel vm10, v33, v37;
	vm15 =	vmand vm7, vm6  }
0xb3: {  	vm2 =	vne.s32 v28, $0x3;
	vm0 =	vgt.f32 v22, v55;
	v57 =	vsel vm15, v35, v34  }
0xb4: {  	vm1 =	vgt.f32 v31, v56;
	vm6 =	vmand vm8, vm0;
	vm4 =	vgt.f32 v45, v57  }
0xb5: {  	vm8 =	vmand vm9, vm1;
	vm9 =	vmand vm2, vm4;
	vm2 =	vnez.u8 v59  }
0xb6: {  	(erf) = vrcp.f32 v58;
	v15 =	vsel vm2, v15, v23  }
0xb7: {  	v62 =	vadd.f32 v15, v13;
	_ =	sdelay $0x1  }
0xb8: {  	v61 =	vpop (erf);
	v63 =	vsel vm8, v31, v56;
	v31 =	vadd.f32 $9.999999680e-21, v62  }
0xb9: {  	[tilespmem:s13+$0xFFFFFF80] =	vst v1;
	v1 =	vsel vm11, v21, v43;
	v34 =	vpop (erf)  }
0xba: {  	[tilespmem:s13+$0xFFFFFF90] =	vst v3;
	v33 =	vadd.f32 v1, v18;
	v3 =	vmul.f32 v34, v4;
	(erf) = vrcp.f32 v31  }
0xbb: {  	v40 =	vsel vm13, v44, v27;
	v2 =	vmul.f32 v61, v2  }
0xbc: {  	[tilespmem:s13+$0x0] =	vst v5;
	v6 =	vmul.f32 v61, v6;
	v5 =	vadd.f32 $9.999999680e-21, v33;
	v60 =	vsel vm9, v45, v57  }
0xbd: {  	[tilespmem:s13+$0x10] =	vst v11;
	vm7 =	vne.s32 v28, $0x4;
	vm0 =	vgt.f32 v29, v63;
	vm4 =	vgt.f32 v46, v60  }
0xbe: {  	vm7 =	vmand vm7, vm4;
	vm4 =	vne.s32 v24, $0x6;
	[tilespmem:s14+$0xFFFFFF90] =	vst v3;
	(erf) = vrcp.f32 v5;
	v3 =	vpop (erf)  }
0xbf: {  	[tilespmem:s14+$0xFFFFFF80] =	vst v2;
	v2 =	vsel vm7, v46, v60;
	v41 =	vmul.f32 v3, v8;
	v3 =	vmul.f32 v3, v14  }
0xc0: {  	[tilespmem:s13+$0xFFFFFFA0] =	vst v7;
	vm3 =	vmand vm4, vm0;
	vm4 =	vne.s32 v28, $0x5;
	vm0 =	vgt.f32 v47, v2  }
0xc1: {  	[tilespmem:s13+$0x20] =	vst v16;
	v36 =	vsel vm6, v22, v55;
	v37 =	vsel vm3, v29, v63;
	vm4 =	vmand vm4, vm0  }
0xc2: {  	[tilespmem:$0x1FFF0] =	vst v38;
	v38 =	vadd.f32 v36, v30;
	v45 =	vld [tilespmem:$0x1FF70];
	vm0 =	vgt.f32 v27, v37;
	v2 =	vsel vm4, v47, v2  }
0xc3: {  	vm1 =	vmand vm13, vm0;
	vm13 =	vne.s32 v28, $0x6;
	vm0 =	vgt.f32 v48, v2;
	[tilespmem:s14+$0x20] =	vst v3;
	v3 =	vpop (erf)  }
0xc4: {  	[tilespmem:s13+$0xFFFFFFB0] =	vst v12;
	v54 =	vld [tilespmem:$0x1FFD0];
	vm13 =	vmand vm13, vm0;
	v46 =	vmul.f32 v3, v13;
	v3 =	vmul.f32 v3, v15  }
0xc5: {  	[tilespmem:$0x1FFA0] =	vst v42;
	v2 =	vsel vm13, v48, v2;
	v48 =	vld [tilespmem:$0x1FF80]  }
0xc6: {  	v50 =	vld [tilespmem:$0x1FF90];
	[tilespmem:s14+$0x0] =	vst v6;
	v42 =	vadd.f32 $9.999999680e-21, v38;
	v44 =	vsel vm2, $0x7, v19;
	v35 =	vmul.f32 v34, v9  }
0xc7: {  	v51 =	vld [tilespmem:$0x1FFA0];
	[tilespmem:s13+$0x30] =	vst v44;
	v47 =	vsel vm5, v39, v32;
	v6 =	vsel vm1, v27, v37;
	vm0 =	vnez.u8 v45  }
0xc8: {  	v53 =	vld [tilespmem:$0x1FFB0];
	(erf) = vrcp.f32 v42;
	v43 =	vadd.f32 v6, v40;
	v8 =	vsel vm0, $0x6, v25;
	[tilespmem:s14+$0x30] =	vst v3;
	v3 =	vpop (erf)  }
0xc9: {  	vm0 =	vgt.f32 v32, v2;
	v52 =	vmul.f32 v3, v18;
	v1 =	vmul.f32 v3, v1;
	v3 =	vld [tilespmem:$0x1FFC0]  }
0xca: {  	v55 =	vld [tilespmem:$0x1FFE0];
	v4 =	vadd.f32 $9.999999680e-21, v43;
	vm0 =	vmand vm5, vm0;
	vm5 =	vnez.u8 v48  }
0xcb: {  	v56 =	vld [tilespmem:$0x1FFF0];
	v8 =	vsel vm11, $0x7, v8;
	vm11 =	vnez.u8 v50;
	v7 =	vsel vm5, $0x1, v0  }
0xcc: {  	v2 =	vsel vm0, v32, v2;
	vm5 =	vnez.u8 v51;
	v7 =	vsel vm11, $0x2, v7  }
0xcd: {  	[tilespmem:s13+$0xFFFFFFC0] =	vst v17;
	v49 =	vadd.f32 v2, v47;
	vm11 =	vnez.u8 v53;
	v7 =	vsel vm5, $0x3, v7  }
0xce: {  	[tilespmem:s13+$0xFFFFFFD0] =	vst v20;
	(erf) = vrcp.f32 v4;
	v7 =	vsel vm11, $0x4, v7;
	vm5 =	vnez.u8 v3  }
0xcf: {  	[tilespmem:s13+$0xFFFFFFE0] =	vst v24;
	v4 =	vadd.f32 $9.999999680e-21, v49;
	vm11 =	vnez.u8 v54;
	v3 =	vsel vm5, $0x5, v7  }
0xd0: {  	[tilespmem:s13+$0xFFFFFFF0] =	vst v28;
	v7 =	vsel vm11, $0x1, v0;
	vm5 =	vnez.u8 v55;
	vm11 =	vnez.u8 v56  }
0xd1: {  	[tilespmem:s13+$0x40] =	vst v8;
	(erf) = vrcp.f32 v4;
	v3 =	vsel vm5, $0x6, v3;
	v4 =	vsel vm11, $0x2, v7  }
0xd2: {  	[tilespmem:s14+$0x40] =	vst v1;
	v1 =	vsel vm6, $0x7, v3;
	v3 =	vsel vm14, $0x3, v4  }
0xd3: {  	[tilespmem:s14+$0x10] =	vst v35;
	v57 =	vpop (erf);
	v3 =	vsel vm10, $0x4, v3  }
0xd4: {  	v59 =	vsel vm12, $0x1, v0;
	[tilespmem:s13+$0x50] =	vst v1;
	v1 =	vmul.f32 v57, v36;
	v3 =	vsel vm8, $0x5, v3  }
0xd5: {  	v60 =	vsel vm15, $0x2, v59;
	[tilespmem:s14+$0xFFFFFFA0] =	vst v41;
	v3 =	vsel vm3, $0x6, v3  }
0xd6: {  	[tilespmem:s14+$0x50] =	vst v1;
	v1 =	vsel vm1, $0x7, v3;
	v3 =	vsel vm9, $0x3, v60  }
0xd7: {  	[tilespmem:s14+$0xFFFFFFB0] =	vst v46;
	v3 =	vsel vm7, $0x4, v3  }
0xd8: {  	v58 =	vmul.f32 v57, v30;
	[tilespmem:s14+$0xFFFFFFC0] =	vst v52;
	v61 =	vpop (erf);
	v3 =	vsel vm4, $0x5, v3  }
0xd9: {  	s11 =	sadd.s32 $0x8, s11;
	[tilespmem:s13+$0x60] =	vst v1;
	v1 =	vmul.f32 v61, v6  }
0xda: {  	p0 =	slt.u32 s11, $0x38;
	v62 =	vmul.f32 v61, v40;
	[tilespmem:s14+$0xFFFFFFD0] =	vst v58  }
.Ltmp0:
0xdb: {  	[tilespmem:s14+$0x60] =	vst v1;
	v1 =	vsel vm13, $0x6, v3;
	v3 =	vpop (erf);
	(pc) =	sbr.rel @p0 .LBB2_2-.Ltmp0, $4  }
0xdc: {  	[tilespmem:s14+$0xFFFFFFE0] =	vst v62;
	v1 =	vsel vm0, $0x7, v1;
	v63 =	vmul.f32 v3, v47  }
0xdd: {  	[tilespmem:s13+$0x70] =	vst v1;
	v1 =	vmul.f32 v3, v2  }
0xde: {  	[tilespmem:s14+$0xFFFFFFF0] =	vst v63  }
0xdf: {  	s12 =	sadd.s32 $0x400, s12;
	s13 =	sadd.s32 $0x100, s13;
	[tilespmem:s14+$0x70] =	vst v1;
	s14 =	sadd.s32 $0x100, s14  }
0xe0: {  	[hbm4b:s4+s2] =	stream.linear.scatter [tilespmem:s8], [sflag:$0x1], $0x800, $0x38;
	[tilespmem:$0x3000] =	vst v63  }
0xe1: {  	s10 =	sadd.s32 $0x1, s10;
	_ =	swait.ge [sflag:s7], $0x800  }
0xe2: {  	p0 =	sne.s32 s10, s6;
	[sflag:s7] =	ssyncset.done $0x0  }
.Ltmp1:
0xe3: {  	[sflag:s7] =	ssyncadd.s32 $0xFFFFF800;
	(pc) =	sbr.rel @p0 .LBB2_1-.Ltmp1, $4  }
0xe4: {  	[hbm4b:s5+s2] =	stream.linear.scatter [tilespmem:s9], [sflag:$0x1], $0x800, $0x38;
	[tilespmem:$0x3000] =	vst v63  }
0xe5: {  	_ =	swait.ge [sflag:s7], $0x800  }
0xe6: {  	[sflag:s7] =	ssyncset.done $0x0  }
0xe7: {  	[sflag:s7] =	ssyncadd.s32 $0xFFFFF800  }
0xe8: {  	_ =	sfence.sel $0x180000  }
0xe9: {  	[bflag:$0x0] =	sbarrier.arrive $0xFFFF  }
0xea: {  	p0 =	sne.s32 s1, $0x0;
	_ =	strace $0x90000047  }
0xeb: {  	s0 =	sadd.s32 @!p0 $0x100000, s0;
	[bflag:$0x2] =	sbarrier.arrive $0xFFFF  }
0xec: {  	[sflag:s0] =	ssyncadd.tile.s32 @!p0 $0x1;
	_ =	shalt  }
.Lfunc_end2:
_tile_overlayer_lowered:
.L_overlay_start_2:
0xed: {  	(tag) =	ssettag $0x2  }
0xee: {  	s0 =	rddreg [dreg:$0x0];
	s2 =	stileid.u32  }
0xef: {  	s1 =	rddreg [dreg:$0x1];
	p0 =	sne.s32 s2, $0x0  }
0xf0: {  	s3 =	rddreg [dreg:$0x2];
	[bflag:$0x3] =	sbarrier.arrive $0xFFFF;
	s2 =	simm.s32 @!p0 $0x1C01  }
0xf1: {  	[timem:s3], [sflag:s2] =	dma.local @!p0 [hbm:s0], s1  }
0xf2: {  	s0 =	simm.s32 @!p0 $0x1  }
0xf3: {  	_ =	swait.ge @!p0 [sflag:s0], s1  }
0xf4: {  	s1 =	ssub.s32 @!p0 $0x0, s1;
	[sflag:s0] =	ssyncset.done @!p0 $0x0  }
0xf5: {  	[sflag:s0] =	ssyncadd.s32 @!p0 s1  }
0xf6: {  	[bflag:$0x3] =	sbarrier.arrive $0xFFFF  }
0xf7: {  	_ =	shalt  }

</sc_bundles>
